<compile_context>
chip_gen: v7x
topology: tpu7x:2x2x1
jax: 0.10.2.dev20260603
libtpu: 0.0.44.dev20260713+nightly
codegen_flags: <defaults>
</compile_context>

<pallas_src>
import jax
import jax.numpy as jnp
from jax.experimental import pallas as pl
from jax.experimental.pallas import tpu as pltpu
from jax.experimental.pallas import tpu_sc as plsc

_VOCAB = 1000000
_D = 64
_NS = 2048
_BR = 1280

_VPAD = 1024 * 1024


def _gumbel_padded():
    u = jax.random.uniform(
        jax.random.key(42), (_VOCAB,), minval=1e-10, maxval=1.0
    )
    g = -jnp.log(-jnp.log(u))
    return jnp.full((_VPAD,), -1e30, jnp.float32).at[:_VOCAB].set(g)


_ROWS = 1024
_COLS = 1024
_NCHUNK = 32


def _select_body(probs_ref, gumbel_ref, tpos_ref):
    z = jnp.log(probs_ref[...] + 1e-10) + gumbel_ref[...]
    b = jax.lax.bitcast_convert_type(z, jnp.uint32)
    key = jnp.where((b >> 31) == 1, ~b, b | jnp.uint32(0x80000000))

    row = jax.lax.broadcasted_iota(jnp.int32, (_ROWS, _COLS), 0)
    col = jax.lax.broadcasted_iota(jnp.int32, (_ROWS, _COLS), 1)
    idx = row * _COLS + col

    def bit_body(i, t):
        cand = t | jax.lax.shift_left(
            jnp.uint32(1), (31 - i).astype(jnp.uint32)
        )
        cnt = jnp.sum((key >= cand).astype(jnp.int32))
        return jnp.where(cnt >= _NS, cand, t)

    tval = jax.lax.fori_loop(0, 32, bit_body, jnp.uint32(0))

    need = _NS - jnp.sum((key > tval).astype(jnp.int32))

    def tie_body(j, iv):
        cand = iv | jax.lax.shift_left(jnp.int32(1), 19 - j)
        cnt = jnp.sum(((key == tval) & (idx <= cand)).astype(jnp.int32))
        return jnp.where(cnt <= need, cand, iv)

    ival = jax.lax.fori_loop(0, 20, tie_body, jnp.int32(0))

    sel = (key > tval) | ((key == tval) & (idx <= ival))
    self_f = sel.astype(jnp.float32)
    rowsum = jnp.sum(self_f, axis=1, keepdims=True)
    utri = (
        jax.lax.broadcasted_iota(jnp.int32, (_COLS, _COLS), 0)
        <= jax.lax.broadcasted_iota(jnp.int32, (_COLS, _COLS), 1)
    ).astype(jnp.float32)
    rowcum = jnp.dot(self_f, utri, preferred_element_type=jnp.float32)
    ltri = (
        jax.lax.broadcasted_iota(jnp.int32, (_ROWS, _ROWS), 0)
        > jax.lax.broadcasted_iota(jnp.int32, (_ROWS, _ROWS), 1)
    ).astype(jnp.float32)
    rowoff = jnp.dot(ltri, rowsum, preferred_element_type=jnp.float32)
    grank = (rowoff + rowcum - 1.0).astype(jnp.int32)
    tpos_ref[...] = jnp.where(sel, grank, _NS)


def _select(probs2d, gumbel2d):
    return pl.pallas_call(
        _select_body,
        grid=(1,),
        in_specs=[
            pl.BlockSpec((_ROWS, _COLS), lambda i: (0, 0)),
            pl.BlockSpec((_ROWS, _COLS), lambda i: (0, 0)),
        ],
        out_specs=pl.BlockSpec((_ROWS, _COLS), lambda i: (0, 0)),
        out_shape=jax.ShapeDtypeStruct((_ROWS, _COLS), jnp.int32),
    )(probs2d, gumbel2d)



_NC = 2
_NSUB = 16
_NW = _NC * _NSUB
_CHUNK = _VPAD // _NW
_CAP = _NS
_B = 20480
_PPW = _B // _NW
_NPW = _NS // _NW


def _compact_body(tpos_hbm, vals_hbm, out_hbm, tpos_v, vals_v, sem):
    w = jax.lax.axis_index("s") * _NC + jax.lax.axis_index("c")
    rows = _CHUNK // 128
    rb = w * rows
    pltpu.sync_copy(tpos_hbm.at[pl.ds(rb, rows)], tpos_v)
    pltpu.sync_copy(vals_hbm.at[pl.ds(rb, rows)], vals_v)

    def outer(i, c):
        cps = []
        for jj in range(16):
            r = i * 16 + jj
            cps.append(pltpu.async_copy(
                vals_v.at[r],
                out_hbm.at[plsc.Indices(tpos_v.at[r], ignored_value=_NS)],
                sem))
        for cp in cps:
            cp.wait()
        return c

    jax.lax.fori_loop(0, rows // 16, outer, jnp.int32(0))


def _compact(tpos2d, vals2d):
    mesh = plsc.VectorSubcoreMesh(core_axis_name="c", subcore_axis_name="s")
    f = pl.kernel(
        _compact_body,
        out_type=jax.ShapeDtypeStruct((_NS + 8,), jnp.int32),
        mesh=mesh,
        compiler_params=pltpu.CompilerParams(needs_layout_passes=False),
        scratch_types=[
            pltpu.VMEM((_CHUNK // 128, 128), jnp.int32),
            pltpu.VMEM((_CHUNK // 128, 128), jnp.int32),
            pltpu.SemaphoreType.DMA,
        ],
    )
    return f(tpos2d, vals2d)


def _loss_body(h_ref, epos_ref, yf_ref, tp_ref, eneg_ref, sid_ref, sp_ref,
               loss_ref, acc_ref, cnt_ref):
    step = pl.program_id(0)

    @pl.when(step == 0)
    def _():
        acc_ref[0, 0] = 0.0
        cnt_ref[0, 0] = 0.0

    h = h_ref[...].reshape(_BR, _D)
    eneg = eneg_ref[...]
    neg = jax.lax.dot_general(
        h, eneg, (((1,), (1,)), ((), ())), preferred_element_type=jnp.float32
    )
    yf = yf_ref[...]
    sid = sid_ref[...]
    logsp = jnp.log(sp_ref[...] + 1e-10)
    negl = jnp.where(yf == sid, -1e9, neg) - logsp
    posl = (jnp.sum(h * epos_ref[...], axis=1, keepdims=True)
            - jnp.log(tp_ref[...] + 1e-10))
    m = jnp.maximum(jnp.max(negl, axis=1, keepdims=True), posl)
    s = jnp.sum(jnp.exp(negl - m), axis=1, keepdims=True) + jnp.exp(posl - m)
    per_row = m + jnp.log(s) - posl
    valid = yf != 0
    acc_ref[0, 0] += jnp.sum(jnp.where(valid, per_row, 0.0))
    cnt_ref[0, 0] += jnp.sum(valid.astype(jnp.float32))

    @pl.when(step == pl.num_programs(0) - 1)
    def _():
        loss_ref[...] = jnp.full((1, 1), acc_ref[0, 0] / cnt_ref[0, 0],
                                 dtype=jnp.float32)


def _fused_loss(hidden, epos, yf, tp, eneg, sid, sp):
    n = epos.shape[0]
    grid = n // _BR
    return pl.pallas_call(
        _loss_body,
        grid=(grid,),
        in_specs=[
            pl.BlockSpec((_BR // 20, 20, _D), lambda i: (i, 0, 0)),
            pl.BlockSpec((_BR, _D), lambda i: (i, 0)),
            pl.BlockSpec((_BR, 1), lambda i: (i, 0)),
            pl.BlockSpec((_BR, 1), lambda i: (i, 0)),
            pl.BlockSpec((_NS, _D), lambda i: (0, 0)),
            pl.BlockSpec((1, _NS), lambda i: (0, 0)),
            pl.BlockSpec((1, _NS), lambda i: (0, 0)),
        ],
        out_specs=pl.BlockSpec((1, 1), lambda i: (0, 0)),
        out_shape=jax.ShapeDtypeStruct((1, 1), jnp.float32),
        scratch_shapes=[
            pltpu.SMEM((1, 1), jnp.float32),
            pltpu.SMEM((1, 1), jnp.float32),
        ],
    )(hidden, epos, yf, tp, eneg, sid, sp)


def kernel(hidden, y, emb_table, sampling_probs):
    yf = y.reshape(-1).astype(jnp.int32)
    probs_pad = jnp.zeros((_VPAD,), jnp.float32).at[:_VOCAB].set(sampling_probs)
    tpos = _select(
        probs_pad.reshape(_ROWS, _COLS),
        _gumbel_padded().reshape(_ROWS, _COLS),
    )
    vals = jnp.arange(_VPAD, dtype=jnp.int32)
    sid_full = _compact(tpos.reshape(_VPAD // 128, 128),
                        vals.reshape(_VPAD // 128, 128))
    sid = sid_full[:_NS]
    epos = emb_table[yf]
    eneg = emb_table[sid]
    tp = sampling_probs[yf]
    sp = sampling_probs[sid]
    loss = _fused_loss(
        hidden, epos, yf.reshape(-1, 1), tp.reshape(-1, 1),
        eneg, sid.reshape(1, -1), sp.reshape(1, -1),
    )
    return loss[0, 0]

# --- scband reference (transcript-rebuilt; emitter-appended) ---
"""Pipeline reference for scband-sampled-softmax-prediction-head-23811298689928 (READ-ONLY COPY).

The authoritative reference and input builder live on the scoring server;
editing this copy changes nothing except your own understanding.
"""

import jax, jax.numpy as jnp
import numpy as np

VOCAB = 1000000
EMBED_DIM = 64
N_SAMPLES = 2048
TEMPERATURE = 1.0


def setup_inputs(seed: int = 0) -> dict:
    key = jax.random.key(seed)
    k1, k2, k3 = jax.random.split(key, 3)
    hidden = jax.random.normal(k1, (1024, 20, EMBED_DIM), dtype=jnp.float32)
    y = jax.random.randint(k2, (1024, 20), 0, VOCAB, dtype=jnp.int64)
    emb_table = jax.random.normal(k3, (VOCAB, EMBED_DIM), dtype=jnp.float32) * 0.02
    # popularity distribution (Zipf-like), smoothing already folded in
    ranks = jnp.arange(1, VOCAB + 1, dtype=jnp.float32)
    probs = (1.0 / ranks + 1e-10) ** 0.75
    sampling_probs = probs / probs.sum()
    return {"hidden": hidden, "y": y, "emb_table": emb_table, "sampling_probs": sampling_probs}


def reference(hidden, y, emb_table, sampling_probs):
    d = hidden.shape[-1]
    h = hidden.reshape(-1, d)
    yf = y.reshape(-1)
    mask = yf != 0
    # PopularitySampler: multinomial without replacement via Gumbel top-k
    skey = jax.random.key(42)
    u = jax.random.uniform(skey, sampling_probs.shape, minval=1e-10, maxval=1.0)
    gumbel = -jnp.log(-jnp.log(u))
    _, sampled_indices = jax.lax.top_k(jnp.log(sampling_probs + 1e-10) + gumbel, N_SAMPLES)
    true_probs = sampling_probs[yf]
    sample_probs = sampling_probs[sampled_indices]
    # embedding gathers
    e_pos = emb_table[yf]
    e_neg = emb_table[sampled_indices]
    pos_logits = (h * e_pos).sum(axis=1)
    neg_logits = h @ e_neg.T
    collision_mask = yf[:, None] == sampled_indices[None, :]
    neg_logits = jnp.where(collision_mask, -1e9, neg_logits)
    # SampledSoftmaxLoss
    pos_l = pos_logits / TEMPERATURE - jnp.log(true_probs + 1e-10)
    neg_l = neg_logits / TEMPERATURE - jnp.log(sample_probs[None, :] + 1e-10)
    logits = jnp.concatenate([pos_l[:, None], neg_l], axis=1)
    # cross entropy with labels == 0
    per_row = jax.nn.logsumexp(logits, axis=1) - logits[:, 0]
    loss = jnp.sum(jnp.where(mask, per_row, 0.0)) / jnp.sum(mask).astype(per_row.dtype)
    return loss

if __name__ == "__main__":
    import jax
    _d = setup_inputs()
    print(jax.jit(kernel)(*tuple(_d.values())))

</pallas_src>

<mosaic_0001>
#map = affine_map<(d0, d1) -> (0, 0)>
#map1 = affine_map<(d0, d1) -> (0)>
module attributes {stable_mosaic.version = 14 : i64} {
  func.func @_compact_body(%arg0: i32, %arg1: i32, %arg2: memref<8192x128xi32, #tpu.memory_space<hbm>>, %arg3: memref<8192x128xi32, #tpu.memory_space<hbm>>, %arg4: memref<2056xi32, #tpu.memory_space<hbm>>, %arg5: memref<256x128xi32, #tpu.memory_space<vmem>>, %arg6: memref<256x128xi32, #tpu.memory_space<vmem>>, %arg7: memref<!tpu.dma_semaphore, #tpu.memory_space<semaphore_mem>>) attributes {dimension_semantics = [#tpu.dimension_semantics<core_parallel>, #tpu.dimension_semantics<subcore_parallel>], iteration_bounds = array<i64: 2, 16>, scalar_prefetch = 0 : i64, scratch_operands = 3 : i64, tpu.core_type = #tpu.core_type<sc_vector_subcore>, window_params = [{transform_indices = #map}, {transform_indices = #map}, {transform_indices = #map1}]} {
    %mul3A = arith.constant 2 : i32
    %mul3A_0 = arith.muli %arg1, %mul3A : i32
    %add3A = arith.addi %mul3A_0, %arg0 : i32
    %mul3A_1 = arith.constant 256 : i32
    %mul3A_2 = arith.muli %add3A, %mul3A_1 : i32
    "tpu.region"() ({
      %run_scoped3A = tpu.sem_alloc : memref<!tpu.dma_semaphore, #tpu.memory_space<semaphore_mem>>
      %dma_start3A = arith.constant 0 : i32
      %dma_start3A_8 = tpu.memref_slice %arg2[%mul3A_2, %dma_start3A] : memref<8192x128xi32, #tpu.memory_space<hbm>> -> memref<256x128xi32, #tpu.memory_space<hbm>>
      %dma_start3A_9 = arith.constant 0 : i32
      %dma_start3A_10 = tpu.memref_slice %arg2[%mul3A_2, %dma_start3A_9] : memref<8192x128xi32, #tpu.memory_space<hbm>> -> memref<256x128xi32, #tpu.memory_space<hbm>>
      tpu.enqueue_dma source(%dma_start3A_10 : memref<256x128xi32, #tpu.memory_space<hbm>>) target(%arg5 : memref<256x128xi32, #tpu.memory_space<vmem>>) target_semaphore(%run_scoped3A : memref<!tpu.dma_semaphore, #tpu.memory_space<semaphore_mem>>)
      %dma_wait3A = arith.constant 0 : i32
      %dma_wait3A_11 = tpu.memref_slice %arg2[%mul3A_2, %dma_wait3A] : memref<8192x128xi32, #tpu.memory_space<hbm>> -> memref<256x128xi32, #tpu.memory_space<hbm>>
      %dma_wait3A_12 = arith.constant 0 : i32
      %dma_wait3A_13 = tpu.memref_slice %arg2[%mul3A_2, %dma_wait3A_12] : memref<8192x128xi32, #tpu.memory_space<hbm>> -> memref<256x128xi32, #tpu.memory_space<hbm>>
      tpu.wait_dma2 semaphore(%run_scoped3A : memref<!tpu.dma_semaphore, #tpu.memory_space<semaphore_mem>>) src(%dma_wait3A_13 : memref<256x128xi32, #tpu.memory_space<hbm>>) dst(%arg5 : memref<256x128xi32, #tpu.memory_space<vmem>>)
      tpu.yield
    }) : () -> ()
    "tpu.region"() ({
      %run_scoped3A = tpu.sem_alloc : memref<!tpu.dma_semaphore, #tpu.memory_space<semaphore_mem>>
      %dma_start3A = arith.constant 0 : i32
      %dma_start3A_8 = tpu.memref_slice %arg3[%mul3A_2, %dma_start3A] : memref<8192x128xi32, #tpu.memory_space<hbm>> -> memref<256x128xi32, #tpu.memory_space<hbm>>
      %dma_start3A_9 = arith.constant 0 : i32
      %dma_start3A_10 = tpu.memref_slice %arg3[%mul3A_2, %dma_start3A_9] : memref<8192x128xi32, #tpu.memory_space<hbm>> -> memref<256x128xi32, #tpu.memory_space<hbm>>
      tpu.enqueue_dma source(%dma_start3A_10 : memref<256x128xi32, #tpu.memory_space<hbm>>) target(%arg6 : memref<256x128xi32, #tpu.memory_space<vmem>>) target_semaphore(%run_scoped3A : memref<!tpu.dma_semaphore, #tpu.memory_space<semaphore_mem>>)
      %dma_wait3A = arith.constant 0 : i32
      %dma_wait3A_11 = tpu.memref_slice %arg3[%mul3A_2, %dma_wait3A] : memref<8192x128xi32, #tpu.memory_space<hbm>> -> memref<256x128xi32, #tpu.memory_space<hbm>>
      %dma_wait3A_12 = arith.constant 0 : i32
      %dma_wait3A_13 = tpu.memref_slice %arg3[%mul3A_2, %dma_wait3A_12] : memref<8192x128xi32, #tpu.memory_space<hbm>> -> memref<256x128xi32, #tpu.memory_space<hbm>>
      tpu.wait_dma2 semaphore(%run_scoped3A : memref<!tpu.dma_semaphore, #tpu.memory_space<semaphore_mem>>) src(%dma_wait3A_13 : memref<256x128xi32, #tpu.memory_space<hbm>>) dst(%arg6 : memref<256x128xi32, #tpu.memory_space<vmem>>)
      tpu.yield
    }) : () -> ()
    %scan3A = arith.constant 0 : i32
    %scan3A_3 = arith.constant 0 : i32
    %scan3A_4 = arith.constant 16 : i32
    %scan3A_5 = arith.addi %scan3A_3, %scan3A_4 : i32
    %scan3A_6 = arith.constant 1 : i32
    scf.for %scan3A_8 = %scan3A_3 to %scan3A_5 step %scan3A_6  : i32 {
      %mul3A_9 = arith.constant 16 : i32
      %mul3A_10 = arith.muli %scan3A_8, %mul3A_9 : i32
      %add3A_11 = arith.constant 0 : i32
      %add3A_12 = arith.addi %mul3A_10, %add3A_11 : i32
      %dma_start3A = arith.constant 0 : i32
      %dma_start3A_13 = tpu.memref_slice %arg6[%add3A_12, %dma_start3A] : memref<256x128xi32, #tpu.memory_space<vmem>> -> memref<1x128xi32, #tpu.memory_space<vmem>>
      %dma_start3A_14 = tpu.memref_squeeze %dma_start3A_13 : memref<1x128xi32, #tpu.memory_space<vmem>> -> memref<128xi32, #tpu.memory_space<vmem>>
      %dma_start3A_15 = arith.constant 0 : i32
      %dma_start3A_16 = tpu.memref_slice %arg5[%add3A_12, %dma_start3A_15] : memref<256x128xi32, #tpu.memory_space<vmem>> -> memref<1x128xi32, #tpu.memory_space<vmem>>
      %dma_start3A_17 = tpu.memref_squeeze %dma_start3A_16 : memref<1x128xi32, #tpu.memory_space<vmem>> -> memref<128xi32, #tpu.memory_space<vmem>>
      %dma_start3A_18 = arith.constant 0 : i32
      %dma_start3A_19 = tpu.memref_slice %arg4[%dma_start3A_18] : memref<2056xi32, #tpu.memory_space<hbm>> -> memref<2056xi32, #tpu.memory_space<hbm>>
      %dma_start3A_20 = arith.constant 2048 : i32
      tpu.enqueue_indirect_dma source(%dma_start3A_14 : memref<128xi32, #tpu.memory_space<vmem>>) target(%dma_start3A_19 : memref<2056xi32, #tpu.memory_space<hbm>>) offsets(%dma_start3A_17 : memref<128xi32, #tpu.memory_space<vmem>>) offset_filter(%dma_start3A_20) semaphore(%arg7 : memref<!tpu.dma_semaphore, #tpu.memory_space<semaphore_mem>>)
      %mul3A_21 = arith.constant 16 : i32
      %mul3A_22 = arith.muli %scan3A_8, %mul3A_21 : i32
      %add3A_23 = arith.constant 1 : i32
      %add3A_24 = arith.addi %mul3A_22, %add3A_23 : i32
      %dma_start3A_25 = arith.constant 0 : i32
      %dma_start3A_26 = tpu.memref_slice %arg6[%add3A_24, %dma_start3A_25] : memref<256x128xi32, #tpu.memory_space<vmem>> -> memref<1x128xi32, #tpu.memory_space<vmem>>
      %dma_start3A_27 = tpu.memref_squeeze %dma_start3A_26 : memref<1x128xi32, #tpu.memory_space<vmem>> -> memref<128xi32, #tpu.memory_space<vmem>>
      %dma_start3A_28 = arith.constant 0 : i32
      %dma_start3A_29 = tpu.memref_slice %arg5[%add3A_24, %dma_start3A_28] : memref<256x128xi32, #tpu.memory_space<vmem>> -> memref<1x128xi32, #tpu.memory_space<vmem>>
      %dma_start3A_30 = tpu.memref_squeeze %dma_start3A_29 : memref<1x128xi32, #tpu.memory_space<vmem>> -> memref<128xi32, #tpu.memory_space<vmem>>
      %dma_start3A_31 = arith.constant 0 : i32
      %dma_start3A_32 = tpu.memref_slice %arg4[%dma_start3A_31] : memref<2056xi32, #tpu.memory_space<hbm>> -> memref<2056xi32, #tpu.memory_space<hbm>>
      %dma_start3A_33 = arith.constant 2048 : i32
      tpu.enqueue_indirect_dma source(%dma_start3A_27 : memref<128xi32, #tpu.memory_space<vmem>>) target(%dma_start3A_32 : memref<2056xi32, #tpu.memory_space<hbm>>) offsets(%dma_start3A_30 : memref<128xi32, #tpu.memory_space<vmem>>) offset_filter(%dma_start3A_33) semaphore(%arg7 : memref<!tpu.dma_semaphore, #tpu.memory_space<semaphore_mem>>)
      %mul3A_34 = arith.constant 16 : i32
      %mul3A_35 = arith.muli %scan3A_8, %mul3A_34 : i32
      %add3A_36 = arith.constant 2 : i32
      %add3A_37 = arith.addi %mul3A_35, %add3A_36 : i32
      %dma_start3A_38 = arith.constant 0 : i32
      %dma_start3A_39 = tpu.memref_slice %arg6[%add3A_37, %dma_start3A_38] : memref<256x128xi32, #tpu.memory_space<vmem>> -> memref<1x128xi32, #tpu.memory_space<vmem>>
      %dma_start3A_40 = tpu.memref_squeeze %dma_start3A_39 : memref<1x128xi32, #tpu.memory_space<vmem>> -> memref<128xi32, #tpu.memory_space<vmem>>
      %dma_start3A_41 = arith.constant 0 : i32
      %dma_start3A_42 = tpu.memref_slice %arg5[%add3A_37, %dma_start3A_41] : memref<256x128xi32, #tpu.memory_space<vmem>> -> memref<1x128xi32, #tpu.memory_space<vmem>>
      %dma_start3A_43 = tpu.memref_squeeze %dma_start3A_42 : memref<1x128xi32, #tpu.memory_space<vmem>> -> memref<128xi32, #tpu.memory_space<vmem>>
      %dma_start3A_44 = arith.constant 0 : i32
      %dma_start3A_45 = tpu.memref_slice %arg4[%dma_start3A_44] : memref<2056xi32, #tpu.memory_space<hbm>> -> memref<2056xi32, #tpu.memory_space<hbm>>
      %dma_start3A_46 = arith.constant 2048 : i32
      tpu.enqueue_indirect_dma source(%dma_start3A_40 : memref<128xi32, #tpu.memory_space<vmem>>) target(%dma_start3A_45 : memref<2056xi32, #tpu.memory_space<hbm>>) offsets(%dma_start3A_43 : memref<128xi32, #tpu.memory_space<vmem>>) offset_filter(%dma_start3A_46) semaphore(%arg7 : memref<!tpu.dma_semaphore, #tpu.memory_space<semaphore_mem>>)
      %mul3A_47 = arith.constant 16 : i32
      %mul3A_48 = arith.muli %scan3A_8, %mul3A_47 : i32
      %add3A_49 = arith.constant 3 : i32
      %add3A_50 = arith.addi %mul3A_48, %add3A_49 : i32
      %dma_start3A_51 = arith.constant 0 : i32
      %dma_start3A_52 = tpu.memref_slice %arg6[%add3A_50, %dma_start3A_51] : memref<256x128xi32, #tpu.memory_space<vmem>> -> memref<1x128xi32, #tpu.memory_space<vmem>>
      %dma_start3A_53 = tpu.memref_squeeze %dma_start3A_52 : memref<1x128xi32, #tpu.memory_space<vmem>> -> memref<128xi32, #tpu.memory_space<vmem>>
      %dma_start3A_54 = arith.constant 0 : i32
      %dma_start3A_55 = tpu.memref_slice %arg5[%add3A_50, %dma_start3A_54] : memref<256x128xi32, #tpu.memory_space<vmem>> -> memref<1x128xi32, #tpu.memory_space<vmem>>
      %dma_start3A_56 = tpu.memref_squeeze %dma_start3A_55 : memref<1x128xi32, #tpu.memory_space<vmem>> -> memref<128xi32, #tpu.memory_space<vmem>>
      %dma_start3A_57 = arith.constant 0 : i32
      %dma_start3A_58 = tpu.memref_slice %arg4[%dma_start3A_57] : memref<2056xi32, #tpu.memory_space<hbm>> -> memref<2056xi32, #tpu.memory_space<hbm>>
      %dma_start3A_59 = arith.constant 2048 : i32
      tpu.enqueue_indirect_dma source(%dma_start3A_53 : memref<128xi32, #tpu.memory_space<vmem>>) target(%dma_start3A_58 : memref<2056xi32, #tpu.memory_space<hbm>>) offsets(%dma_start3A_56 : memref<128xi32, #tpu.memory_space<vmem>>) offset_filter(%dma_start3A_59) semaphore(%arg7 : memref<!tpu.dma_semaphore, #tpu.memory_space<semaphore_mem>>)
      %mul3A_60 = arith.constant 16 : i32
      %mul3A_61 = arith.muli %scan3A_8, %mul3A_60 : i32
      %add3A_62 = arith.constant 4 : i32
      %add3A_63 = arith.addi %mul3A_61, %add3A_62 : i32
      %dma_start3A_64 = arith.constant 0 : i32
      %dma_start3A_65 = tpu.memref_slice %arg6[%add3A_63, %dma_start3A_64] : memref<256x128xi32, #tpu.memory_space<vmem>> -> memref<1x128xi32, #tpu.memory_space<vmem>>
      %dma_start3A_66 = tpu.memref_squeeze %dma_start3A_65 : memref<1x128xi32, #tpu.memory_space<vmem>> -> memref<128xi32, #tpu.memory_space<vmem>>
      %dma_start3A_67 = arith.constant 0 : i32
      %dma_start3A_68 = tpu.memref_slice %arg5[%add3A_63, %dma_start3A_67] : memref<256x128xi32, #tpu.memory_space<vmem>> -> memref<1x128xi32, #tpu.memory_space<vmem>>
      %dma_start3A_69 = tpu.memref_squeeze %dma_start3A_68 : memref<1x128xi32, #tpu.memory_space<vmem>> -> memref<128xi32, #tpu.memory_space<vmem>>
      %dma_start3A_70 = arith.constant 0 : i32
      %dma_start3A_71 = tpu.memref_slice %arg4[%dma_start3A_70] : memref<2056xi32, #tpu.memory_space<hbm>> -> memref<2056xi32, #tpu.memory_space<hbm>>
      %dma_start3A_72 = arith.constant 2048 : i32
      tpu.enqueue_indirect_dma source(%dma_start3A_66 : memref<128xi32, #tpu.memory_space<vmem>>) target(%dma_start3A_71 : memref<2056xi32, #tpu.memory_space<hbm>>) offsets(%dma_start3A_69 : memref<128xi32, #tpu.memory_space<vmem>>) offset_filter(%dma_start3A_72) semaphore(%arg7 : memref<!tpu.dma_semaphore, #tpu.memory_space<semaphore_mem>>)
      %mul3A_73 = arith.constant 16 : i32
      %mul3A_74 = arith.muli %scan3A_8, %mul3A_73 : i32
      %add3A_75 = arith.constant 5 : i32
      %add3A_76 = arith.addi %mul3A_74, %add3A_75 : i32
      %dma_start3A_77 = arith.constant 0 : i32
      %dma_start3A_78 = tpu.memref_slice %arg6[%add3A_76, %dma_start3A_77] : memref<256x128xi32, #tpu.memory_space<vmem>> -> memref<1x128xi32, #tpu.memory_space<vmem>>
      %dma_start3A_79 = tpu.memref_squeeze %dma_start3A_78 : memref<1x128xi32, #tpu.memory_space<vmem>> -> memref<128xi32, #tpu.memory_space<vmem>>
      %dma_start3A_80 = arith.constant 0 : i32
      %dma_start3A_81 = tpu.memref_slice %arg5[%add3A_76, %dma_start3A_80] : memref<256x128xi32, #tpu.memory_space<vmem>> -> memref<1x128xi32, #tpu.memory_space<vmem>>
      %dma_start3A_82 = tpu.memref_squeeze %dma_start3A_81 : memref<1x128xi32, #tpu.memory_space<vmem>> -> memref<128xi32, #tpu.memory_space<vmem>>
      %dma_start3A_83 = arith.constant 0 : i32
      %dma_start3A_84 = tpu.memref_slice %arg4[%dma_start3A_83] : memref<2056xi32, #tpu.memory_space<hbm>> -> memref<2056xi32, #tpu.memory_space<hbm>>
      %dma_start3A_85 = arith.constant 2048 : i32
      tpu.enqueue_indirect_dma source(%dma_start3A_79 : memref<128xi32, #tpu.memory_space<vmem>>) target(%dma_start3A_84 : memref<2056xi32, #tpu.memory_space<hbm>>) offsets(%dma_start3A_82 : memref<128xi32, #tpu.memory_space<vmem>>) offset_filter(%dma_start3A_85) semaphore(%arg7 : memref<!tpu.dma_semaphore, #tpu.memory_space<semaphore_mem>>)
      %mul3A_86 = arith.constant 16 : i32
      %mul3A_87 = arith.muli %scan3A_8, %mul3A_86 : i32
      %add3A_88 = arith.constant 6 : i32
      %add3A_89 = arith.addi %mul3A_87, %add3A_88 : i32
      %dma_start3A_90 = arith.constant 0 : i32
      %dma_start3A_91 = tpu.memref_slice %arg6[%add3A_89, %dma_start3A_90] : memref<256x128xi32, #tpu.memory_space<vmem>> -> memref<1x128xi32, #tpu.memory_space<vmem>>
      %dma_start3A_92 = tpu.memref_squeeze %dma_start3A_91 : memref<1x128xi32, #tpu.memory_space<vmem>> -> memref<128xi32, #tpu.memory_space<vmem>>
      %dma_start3A_93 = arith.constant 0 : i32
      %dma_start3A_94 = tpu.memref_slice %arg5[%add3A_89, %dma_start3A_93] : memref<256x128xi32, #tpu.memory_space<vmem>> -> memref<1x128xi32, #tpu.memory_space<vmem>>
      %dma_start3A_95 = tpu.memref_squeeze %dma_start3A_94 : memref<1x128xi32, #tpu.memory_space<vmem>> -> memref<128xi32, #tpu.memory_space<vmem>>
      %dma_start3A_96 = arith.constant 0 : i32
      %dma_start3A_97 = tpu.memref_slice %arg4[%dma_start3A_96] : memref<2056xi32, #tpu.memory_space<hbm>> -> memref<2056xi32, #tpu.memory_space<hbm>>
      %dma_start3A_98 = arith.constant 2048 : i32
      tpu.enqueue_indirect_dma source(%dma_start3A_92 : memref<128xi32, #tpu.memory_space<vmem>>) target(%dma_start3A_97 : memref<2056xi32, #tpu.memory_space<hbm>>) offsets(%dma_start3A_95 : memref<128xi32, #tpu.memory_space<vmem>>) offset_filter(%dma_start3A_98) semaphore(%arg7 : memref<!tpu.dma_semaphore, #tpu.memory_space<semaphore_mem>>)
      %mul3A_99 = arith.constant 16 : i32
      %mul3A_100 = arith.muli %scan3A_8, %mul3A_99 : i32
      %add3A_101 = arith.constant 7 : i32
      %add3A_102 = arith.addi %mul3A_100, %add3A_101 : i32
      %dma_start3A_103 = arith.constant 0 : i32
      %dma_start3A_104 = tpu.memref_slice %arg6[%add3A_102, %dma_start3A_103] : memref<256x128xi32, #tpu.memory_space<vmem>> -> memref<1x128xi32, #tpu.memory_space<vmem>>
      %dma_start3A_105 = tpu.memref_squeeze %dma_start3A_104 : memref<1x128xi32, #tpu.memory_space<vmem>> -> memref<128xi32, #tpu.memory_space<vmem>>
      %dma_start3A_106 = arith.constant 0 : i32
      %dma_start3A_107 = tpu.memref_slice %arg5[%add3A_102, %dma_start3A_106] : memref<256x128xi32, #tpu.memory_space<vmem>> -> memref<1x128xi32, #tpu.memory_space<vmem>>
      %dma_start3A_108 = tpu.memref_squeeze %dma_start3A_107 : memref<1x128xi32, #tpu.memory_space<vmem>> -> memref<128xi32, #tpu.memory_space<vmem>>
      %dma_start3A_109 = arith.constant 0 : i32
      %dma_start3A_110 = tpu.memref_slice %arg4[%dma_start3A_109] : memref<2056xi32, #tpu.memory_space<hbm>> -> memref<2056xi32, #tpu.memory_space<hbm>>
      %dma_start3A_111 = arith.constant 2048 : i32
      tpu.enqueue_indirect_dma source(%dma_start3A_105 : memref<128xi32, #tpu.memory_space<vmem>>) target(%dma_start3A_110 : memref<2056xi32, #tpu.memory_space<hbm>>) offsets(%dma_start3A_108 : memref<128xi32, #tpu.memory_space<vmem>>) offset_filter(%dma_start3A_111) semaphore(%arg7 : memref<!tpu.dma_semaphore, #tpu.memory_space<semaphore_mem>>)
      %mul3A_112 = arith.constant 16 : i32
      %mul3A_113 = arith.muli %scan3A_8, %mul3A_112 : i32
      %add3A_114 = arith.constant 8 : i32
      %add3A_115 = arith.addi %mul3A_113, %add3A_114 : i32
      %dma_start3A_116 = arith.constant 0 : i32
      %dma_start3A_117 = tpu.memref_slice %arg6[%add3A_115, %dma_start3A_116] : memref<256x128xi32, #tpu.memory_space<vmem>> -> memref<1x128xi32, #tpu.memory_space<vmem>>
      %dma_start3A_118 = tpu.memref_squeeze %dma_start3A_117 : memref<1x128xi32, #tpu.memory_space<vmem>> -> memref<128xi32, #tpu.memory_space<vmem>>
      %dma_start3A_119 = arith.constant 0 : i32
      %dma_start3A_120 = tpu.memref_slice %arg5[%add3A_115, %dma_start3A_119] : memref<256x128xi32, #tpu.memory_space<vmem>> -> memref<1x128xi32, #tpu.memory_space<vmem>>
      %dma_start3A_121 = tpu.memref_squeeze %dma_start3A_120 : memref<1x128xi32, #tpu.memory_space<vmem>> -> memref<128xi32, #tpu.memory_space<vmem>>
      %dma_start3A_122 = arith.constant 0 : i32
      %dma_start3A_123 = tpu.memref_slice %arg4[%dma_start3A_122] : memref<2056xi32, #tpu.memory_space<hbm>> -> memref<2056xi32, #tpu.memory_space<hbm>>
      %dma_start3A_124 = arith.constant 2048 : i32
      tpu.enqueue_indirect_dma source(%dma_start3A_118 : memref<128xi32, #tpu.memory_space<vmem>>) target(%dma_start3A_123 : memref<2056xi32, #tpu.memory_space<hbm>>) offsets(%dma_start3A_121 : memref<128xi32, #tpu.memory_space<vmem>>) offset_filter(%dma_start3A_124) semaphore(%arg7 : memref<!tpu.dma_semaphore, #tpu.memory_space<semaphore_mem>>)
      %mul3A_125 = arith.constant 16 : i32
      %mul3A_126 = arith.muli %scan3A_8, %mul3A_125 : i32
      %add3A_127 = arith.constant 9 : i32
      %add3A_128 = arith.addi %mul3A_126, %add3A_127 : i32
      %dma_start3A_129 = arith.constant 0 : i32
      %dma_start3A_130 = tpu.memref_slice %arg6[%add3A_128, %dma_start3A_129] : memref<256x128xi32, #tpu.memory_space<vmem>> -> memref<1x128xi32, #tpu.memory_space<vmem>>
      %dma_start3A_131 = tpu.memref_squeeze %dma_start3A_130 : memref<1x128xi32, #tpu.memory_space<vmem>> -> memref<128xi32, #tpu.memory_space<vmem>>
      %dma_start3A_132 = arith.constant 0 : i32
      %dma_start3A_133 = tpu.memref_slice %arg5[%add3A_128, %dma_start3A_132] : memref<256x128xi32, #tpu.memory_space<vmem>> -> memref<1x128xi32, #tpu.memory_space<vmem>>
      %dma_start3A_134 = tpu.memref_squeeze %dma_start3A_133 : memref<1x128xi32, #tpu.memory_space<vmem>> -> memref<128xi32, #tpu.memory_space<vmem>>
      %dma_start3A_135 = arith.constant 0 : i32
      %dma_start3A_136 = tpu.memref_slice %arg4[%dma_start3A_135] : memref<2056xi32, #tpu.memory_space<hbm>> -> memref<2056xi32, #tpu.memory_space<hbm>>
      %dma_start3A_137 = arith.constant 2048 : i32
      tpu.enqueue_indirect_dma source(%dma_start3A_131 : memref<128xi32, #tpu.memory_space<vmem>>) target(%dma_start3A_136 : memref<2056xi32, #tpu.memory_space<hbm>>) offsets(%dma_start3A_134 : memref<128xi32, #tpu.memory_space<vmem>>) offset_filter(%dma_start3A_137) semaphore(%arg7 : memref<!tpu.dma_semaphore, #tpu.memory_space<semaphore_mem>>)
      %mul3A_138 = arith.constant 16 : i32
      %mul3A_139 = arith.muli %scan3A_8, %mul3A_138 : i32
      %add3A_140 = arith.constant 10 : i32
      %add3A_141 = arith.addi %mul3A_139, %add3A_140 : i32
      %dma_start3A_142 = arith.constant 0 : i32
      %dma_start3A_143 = tpu.memref_slice %arg6[%add3A_141, %dma_start3A_142] : memref<256x128xi32, #tpu.memory_space<vmem>> -> memref<1x128xi32, #tpu.memory_space<vmem>>
      %dma_start3A_144 = tpu.memref_squeeze %dma_start3A_143 : memref<1x128xi32, #tpu.memory_space<vmem>> -> memref<128xi32, #tpu.memory_space<vmem>>
      %dma_start3A_145 = arith.constant 0 : i32
      %dma_start3A_146 = tpu.memref_slice %arg5[%add3A_141, %dma_start3A_145] : memref<256x128xi32, #tpu.memory_space<vmem>> -> memref<1x128xi32, #tpu.memory_space<vmem>>
      %dma_start3A_147 = tpu.memref_squeeze %dma_start3A_146 : memref<1x128xi32, #tpu.memory_space<vmem>> -> memref<128xi32, #tpu.memory_space<vmem>>
      %dma_start3A_148 = arith.constant 0 : i32
      %dma_start3A_149 = tpu.memref_slice %arg4[%dma_start3A_148] : memref<2056xi32, #tpu.memory_space<hbm>> -> memref<2056xi32, #tpu.memory_space<hbm>>
      %dma_start3A_150 = arith.constant 2048 : i32
      tpu.enqueue_indirect_dma source(%dma_start3A_144 : memref<128xi32, #tpu.memory_space<vmem>>) target(%dma_start3A_149 : memref<2056xi32, #tpu.memory_space<hbm>>) offsets(%dma_start3A_147 : memref<128xi32, #tpu.memory_space<vmem>>) offset_filter(%dma_start3A_150) semaphore(%arg7 : memref<!tpu.dma_semaphore, #tpu.memory_space<semaphore_mem>>)
      %mul3A_151 = arith.constant 16 : i32
      %mul3A_152 = arith.muli %scan3A_8, %mul3A_151 : i32
      %add3A_153 = arith.constant 11 : i32
      %add3A_154 = arith.addi %mul3A_152, %add3A_153 : i32
      %dma_start3A_155 = arith.constant 0 : i32
      %dma_start3A_156 = tpu.memref_slice %arg6[%add3A_154, %dma_start3A_155] : memref<256x128xi32, #tpu.memory_space<vmem>> -> memref<1x128xi32, #tpu.memory_space<vmem>>
      %dma_start3A_157 = tpu.memref_squeeze %dma_start3A_156 : memref<1x128xi32, #tpu.memory_space<vmem>> -> memref<128xi32, #tpu.memory_space<vmem>>
      %dma_start3A_158 = arith.constant 0 : i32
      %dma_start3A_159 = tpu.memref_slice %arg5[%add3A_154, %dma_start3A_158] : memref<256x128xi32, #tpu.memory_space<vmem>> -> memref<1x128xi32, #tpu.memory_space<vmem>>
      %dma_start3A_160 = tpu.memref_squeeze %dma_start3A_159 : memref<1x128xi32, #tpu.memory_space<vmem>> -> memref<128xi32, #tpu.memory_space<vmem>>
      %dma_start3A_161 = arith.constant 0 : i32
      %dma_start3A_162 = tpu.memref_slice %arg4[%dma_start3A_161] : memref<2056xi32, #tpu.memory_space<hbm>> -> memref<2056xi32, #tpu.memory_space<hbm>>
      %dma_start3A_163 = arith.constant 2048 : i32
      tpu.enqueue_indirect_dma source(%dma_start3A_157 : memref<128xi32, #tpu.memory_space<vmem>>) target(%dma_start3A_162 : memref<2056xi32, #tpu.memory_space<hbm>>) offsets(%dma_start3A_160 : memref<128xi32, #tpu.memory_space<vmem>>) offset_filter(%dma_start3A_163) semaphore(%arg7 : memref<!tpu.dma_semaphore, #tpu.memory_space<semaphore_mem>>)
      %mul3A_164 = arith.constant 16 : i32
      %mul3A_165 = arith.muli %scan3A_8, %mul3A_164 : i32
      %add3A_166 = arith.constant 12 : i32
      %add3A_167 = arith.addi %mul3A_165, %add3A_166 : i32
      %dma_start3A_168 = arith.constant 0 : i32
      %dma_start3A_169 = tpu.memref_slice %arg6[%add3A_167, %dma_start3A_168] : memref<256x128xi32, #tpu.memory_space<vmem>> -> memref<1x128xi32, #tpu.memory_space<vmem>>
      %dma_start3A_170 = tpu.memref_squeeze %dma_start3A_169 : memref<1x128xi32, #tpu.memory_space<vmem>> -> memref<128xi32, #tpu.memory_space<vmem>>
      %dma_start3A_171 = arith.constant 0 : i32
      %dma_start3A_172 = tpu.memref_slice %arg5[%add3A_167, %dma_start3A_171] : memref<256x128xi32, #tpu.memory_space<vmem>> -> memref<1x128xi32, #tpu.memory_space<vmem>>
      %dma_start3A_173 = tpu.memref_squeeze %dma_start3A_172 : memref<1x128xi32, #tpu.memory_space<vmem>> -> memref<128xi32, #tpu.memory_space<vmem>>
      %dma_start3A_174 = arith.constant 0 : i32
      %dma_start3A_175 = tpu.memref_slice %arg4[%dma_start3A_174] : memref<2056xi32, #tpu.memory_space<hbm>> -> memref<2056xi32, #tpu.memory_space<hbm>>
      %dma_start3A_176 = arith.constant 2048 : i32
      tpu.enqueue_indirect_dma source(%dma_start3A_170 : memref<128xi32, #tpu.memory_space<vmem>>) target(%dma_start3A_175 : memref<2056xi32, #tpu.memory_space<hbm>>) offsets(%dma_start3A_173 : memref<128xi32, #tpu.memory_space<vmem>>) offset_filter(%dma_start3A_176) semaphore(%arg7 : memref<!tpu.dma_semaphore, #tpu.memory_space<semaphore_mem>>)
      %mul3A_177 = arith.constant 16 : i32
      %mul3A_178 = arith.muli %scan3A_8, %mul3A_177 : i32
      %add3A_179 = arith.constant 13 : i32
      %add3A_180 = arith.addi %mul3A_178, %add3A_179 : i32
      %dma_start3A_181 = arith.constant 0 : i32
      %dma_start3A_182 = tpu.memref_slice %arg6[%add3A_180, %dma_start3A_181] : memref<256x128xi32, #tpu.memory_space<vmem>> -> memref<1x128xi32, #tpu.memory_space<vmem>>
      %dma_start3A_183 = tpu.memref_squeeze %dma_start3A_182 : memref<1x128xi32, #tpu.memory_space<vmem>> -> memref<128xi32, #tpu.memory_space<vmem>>
      %dma_start3A_184 = arith.constant 0 : i32
      %dma_start3A_185 = tpu.memref_slice %arg5[%add3A_180, %dma_start3A_184] : memref<256x128xi32, #tpu.memory_space<vmem>> -> memref<1x128xi32, #tpu.memory_space<vmem>>
      %dma_start3A_186 = tpu.memref_squeeze %dma_start3A_185 : memref<1x128xi32, #tpu.memory_space<vmem>> -> memref<128xi32, #tpu.memory_space<vmem>>
      %dma_start3A_187 = arith.constant 0 : i32
      %dma_start3A_188 = tpu.memref_slice %arg4[%dma_start3A_187] : memref<2056xi32, #tpu.memory_space<hbm>> -> memref<2056xi32, #tpu.memory_space<hbm>>
      %dma_start3A_189 = arith.constant 2048 : i32
      tpu.enqueue_indirect_dma source(%dma_start3A_183 : memref<128xi32, #tpu.memory_space<vmem>>) target(%dma_start3A_188 : memref<2056xi32, #tpu.memory_space<hbm>>) offsets(%dma_start3A_186 : memref<128xi32, #tpu.memory_space<vmem>>) offset_filter(%dma_start3A_189) semaphore(%arg7 : memref<!tpu.dma_semaphore, #tpu.memory_space<semaphore_mem>>)
      %mul3A_190 = arith.constant 16 : i32
      %mul3A_191 = arith.muli %scan3A_8, %mul3A_190 : i32
      %add3A_192 = arith.constant 14 : i32
      %add3A_193 = arith.addi %mul3A_191, %add3A_192 : i32
      %dma_start3A_194 = arith.constant 0 : i32
      %dma_start3A_195 = tpu.memref_slice %arg6[%add3A_193, %dma_start3A_194] : memref<256x128xi32, #tpu.memory_space<vmem>> -> memref<1x128xi32, #tpu.memory_space<vmem>>
      %dma_start3A_196 = tpu.memref_squeeze %dma_start3A_195 : memref<1x128xi32, #tpu.memory_space<vmem>> -> memref<128xi32, #tpu.memory_space<vmem>>
      %dma_start3A_197 = arith.constant 0 : i32
      %dma_start3A_198 = tpu.memref_slice %arg5[%add3A_193, %dma_start3A_197] : memref<256x128xi32, #tpu.memory_space<vmem>> -> memref<1x128xi32, #tpu.memory_space<vmem>>
      %dma_start3A_199 = tpu.memref_squeeze %dma_start3A_198 : memref<1x128xi32, #tpu.memory_space<vmem>> -> memref<128xi32, #tpu.memory_space<vmem>>
      %dma_start3A_200 = arith.constant 0 : i32
      %dma_start3A_201 = tpu.memref_slice %arg4[%dma_start3A_200] : memref<2056xi32, #tpu.memory_space<hbm>> -> memref<2056xi32, #tpu.memory_space<hbm>>
      %dma_start3A_202 = arith.constant 2048 : i32
      tpu.enqueue_indirect_dma source(%dma_start3A_196 : memref<128xi32, #tpu.memory_space<vmem>>) target(%dma_start3A_201 : memref<2056xi32, #tpu.memory_space<hbm>>) offsets(%dma_start3A_199 : memref<128xi32, #tpu.memory_space<vmem>>) offset_filter(%dma_start3A_202) semaphore(%arg7 : memref<!tpu.dma_semaphore, #tpu.memory_space<semaphore_mem>>)
      %mul3A_203 = arith.constant 16 : i32
      %mul3A_204 = arith.muli %scan3A_8, %mul3A_203 : i32
      %add3A_205 = arith.constant 15 : i32
      %add3A_206 = arith.addi %mul3A_204, %add3A_205 : i32
      %dma_start3A_207 = arith.constant 0 : i32
      %dma_start3A_208 = tpu.memref_slice %arg6[%add3A_206, %dma_start3A_207] : memref<256x128xi32, #tpu.memory_space<vmem>> -> memref<1x128xi32, #tpu.memory_space<vmem>>
      %dma_start3A_209 = tpu.memref_squeeze %dma_start3A_208 : memref<1x128xi32, #tpu.memory_space<vmem>> -> memref<128xi32, #tpu.memory_space<vmem>>
      %dma_start3A_210 = arith.constant 0 : i32
      %dma_start3A_211 = tpu.memref_slice %arg5[%add3A_206, %dma_start3A_210] : memref<256x128xi32, #tpu.memory_space<vmem>> -> memref<1x128xi32, #tpu.memory_space<vmem>>
      %dma_start3A_212 = tpu.memref_squeeze %dma_start3A_211 : memref<1x128xi32, #tpu.memory_space<vmem>> -> memref<128xi32, #tpu.memory_space<vmem>>
      %dma_start3A_213 = arith.constant 0 : i32
      %dma_start3A_214 = tpu.memref_slice %arg4[%dma_start3A_213] : memref<2056xi32, #tpu.memory_space<hbm>> -> memref<2056xi32, #tpu.memory_space<hbm>>
      %dma_start3A_215 = arith.constant 2048 : i32
      tpu.enqueue_indirect_dma source(%dma_start3A_209 : memref<128xi32, #tpu.memory_space<vmem>>) target(%dma_start3A_214 : memref<2056xi32, #tpu.memory_space<hbm>>) offsets(%dma_start3A_212 : memref<128xi32, #tpu.memory_space<vmem>>) offset_filter(%dma_start3A_215) semaphore(%arg7 : memref<!tpu.dma_semaphore, #tpu.memory_space<semaphore_mem>>)
      %dma_wait3A = arith.constant 0 : i32
      %dma_wait3A_216 = tpu.memref_slice %arg6[%add3A_12, %dma_wait3A] : memref<256x128xi32, #tpu.memory_space<vmem>> -> memref<1x128xi32, #tpu.memory_space<vmem>>
      %dma_wait3A_217 = tpu.memref_squeeze %dma_wait3A_216 : memref<1x128xi32, #tpu.memory_space<vmem>> -> memref<128xi32, #tpu.memory_space<vmem>>
      %dma_wait3A_218 = arith.constant 0 : i32
      %dma_wait3A_219 = tpu.memref_slice %arg5[%add3A_12, %dma_wait3A_218] : memref<256x128xi32, #tpu.memory_space<vmem>> -> memref<1x128xi32, #tpu.memory_space<vmem>>
      %dma_wait3A_220 = tpu.memref_squeeze %dma_wait3A_219 : memref<1x128xi32, #tpu.memory_space<vmem>> -> memref<128xi32, #tpu.memory_space<vmem>>
      %dma_wait3A_221 = arith.constant 0 : i32
      %dma_wait3A_222 = tpu.memref_slice %arg4[%dma_wait3A_221] : memref<2056xi32, #tpu.memory_space<hbm>> -> memref<2056xi32, #tpu.memory_space<hbm>>
      tpu.wait_indirect_dma semaphore(%arg7 : memref<!tpu.dma_semaphore, #tpu.memory_space<semaphore_mem>>) src(%dma_wait3A_217 : memref<128xi32, #tpu.memory_space<vmem>>) dst(%dma_wait3A_222 : memref<2056xi32, #tpu.memory_space<hbm>>)
      %dma_wait3A_223 = arith.constant 0 : i32
      %dma_wait3A_224 = tpu.memref_slice %arg6[%add3A_24, %dma_wait3A_223] : memref<256x128xi32, #tpu.memory_space<vmem>> -> memref<1x128xi32, #tpu.memory_space<vmem>>
      %dma_wait3A_225 = tpu.memref_squeeze %dma_wait3A_224 : memref<1x128xi32, #tpu.memory_space<vmem>> -> memref<128xi32, #tpu.memory_space<vmem>>
      %dma_wait3A_226 = arith.constant 0 : i32
      %dma_wait3A_227 = tpu.memref_slice %arg5[%add3A_24, %dma_wait3A_226] : memref<256x128xi32, #tpu.memory_space<vmem>> -> memref<1x128xi32, #tpu.memory_space<vmem>>
      %dma_wait3A_228 = tpu.memref_squeeze %dma_wait3A_227 : memref<1x128xi32, #tpu.memory_space<vmem>> -> memref<128xi32, #tpu.memory_space<vmem>>
      %dma_wait3A_229 = arith.constant 0 : i32
      %dma_wait3A_230 = tpu.memref_slice %arg4[%dma_wait3A_229] : memref<2056xi32, #tpu.memory_space<hbm>> -> memref<2056xi32, #tpu.memory_space<hbm>>
      tpu.wait_indirect_dma semaphore(%arg7 : memref<!tpu.dma_semaphore, #tpu.memory_space<semaphore_mem>>) src(%dma_wait3A_225 : memref<128xi32, #tpu.memory_space<vmem>>) dst(%dma_wait3A_230 : memref<2056xi32, #tpu.memory_space<hbm>>)
      %dma_wait3A_231 = arith.constant 0 : i32
      %dma_wait3A_232 = tpu.memref_slice %arg6[%add3A_37, %dma_wait3A_231] : memref<256x128xi32, #tpu.memory_space<vmem>> -> memref<1x128xi32, #tpu.memory_space<vmem>>
      %dma_wait3A_233 = tpu.memref_squeeze %dma_wait3A_232 : memref<1x128xi32, #tpu.memory_space<vmem>> -> memref<128xi32, #tpu.memory_space<vmem>>
      %dma_wait3A_234 = arith.constant 0 : i32
      %dma_wait3A_235 = tpu.memref_slice %arg5[%add3A_37, %dma_wait3A_234] : memref<256x128xi32, #tpu.memory_space<vmem>> -> memref<1x128xi32, #tpu.memory_space<vmem>>
      %dma_wait3A_236 = tpu.memref_squeeze %dma_wait3A_235 : memref<1x128xi32, #tpu.memory_space<vmem>> -> memref<128xi32, #tpu.memory_space<vmem>>
      %dma_wait3A_237 = arith.constant 0 : i32
      %dma_wait3A_238 = tpu.memref_slice %arg4[%dma_wait3A_237] : memref<2056xi32, #tpu.memory_space<hbm>> -> memref<2056xi32, #tpu.memory_space<hbm>>
      tpu.wait_indirect_dma semaphore(%arg7 : memref<!tpu.dma_semaphore, #tpu.memory_space<semaphore_mem>>) src(%dma_wait3A_233 : memref<128xi32, #tpu.memory_space<vmem>>) dst(%dma_wait3A_238 : memref<2056xi32, #tpu.memory_space<hbm>>)
      %dma_wait3A_239 = arith.constant 0 : i32
      %dma_wait3A_240 = tpu.memref_slice %arg6[%add3A_50, %dma_wait3A_239] : memref<256x128xi32, #tpu.memory_space<vmem>> -> memref<1x128xi32, #tpu.memory_space<vmem>>
      %dma_wait3A_241 = tpu.memref_squeeze %dma_wait3A_240 : memref<1x128xi32, #tpu.memory_space<vmem>> -> memref<128xi32, #tpu.memory_space<vmem>>
      %dma_wait3A_242 = arith.constant 0 : i32
      %dma_wait3A_243 = tpu.memref_slice %arg5[%add3A_50, %dma_wait3A_242] : memref<256x128xi32, #tpu.memory_space<vmem>> -> memref<1x128xi32, #tpu.memory_space<vmem>>
      %dma_wait3A_244 = tpu.memref_squeeze %dma_wait3A_243 : memref<1x128xi32, #tpu.memory_space<vmem>> -> memref<128xi32, #tpu.memory_space<vmem>>
      %dma_wait3A_245 = arith.constant 0 : i32
      %dma_wait3A_246 = tpu.memref_slice %arg4[%dma_wait3A_245] : memref<2056xi32, #tpu.memory_space<hbm>> -> memref<2056xi32, #tpu.memory_space<hbm>>
      tpu.wait_indirect_dma semaphore(%arg7 : memref<!tpu.dma_semaphore, #tpu.memory_space<semaphore_mem>>) src(%dma_wait3A_241 : memref<128xi32, #tpu.memory_space<vmem>>) dst(%dma_wait3A_246 : memref<2056xi32, #tpu.memory_space<hbm>>)
      %dma_wait3A_247 = arith.constant 0 : i32
      %dma_wait3A_248 = tpu.memref_slice %arg6[%add3A_63, %dma_wait3A_247] : memref<256x128xi32, #tpu.memory_space<vmem>> -> memref<1x128xi32, #tpu.memory_space<vmem>>
      %dma_wait3A_249 = tpu.memref_squeeze %dma_wait3A_248 : memref<1x128xi32, #tpu.memory_space<vmem>> -> memref<128xi32, #tpu.memory_space<vmem>>
      %dma_wait3A_250 = arith.constant 0 : i32
      %dma_wait3A_251 = tpu.memref_slice %arg5[%add3A_63, %dma_wait3A_250] : memref<256x128xi32, #tpu.memory_space<vmem>> -> memref<1x128xi32, #tpu.memory_space<vmem>>
      %dma_wait3A_252 = tpu.memref_squeeze %dma_wait3A_251 : memref<1x128xi32, #tpu.memory_space<vmem>> -> memref<128xi32, #tpu.memory_space<vmem>>
      %dma_wait3A_253 = arith.constant 0 : i32
      %dma_wait3A_254 = tpu.memref_slice %arg4[%dma_wait3A_253] : memref<2056xi32, #tpu.memory_space<hbm>> -> memref<2056xi32, #tpu.memory_space<hbm>>
      tpu.wait_indirect_dma semaphore(%arg7 : memref<!tpu.dma_semaphore, #tpu.memory_space<semaphore_mem>>) src(%dma_wait3A_249 : memref<128xi32, #tpu.memory_space<vmem>>) dst(%dma_wait3A_254 : memref<2056xi32, #tpu.memory_space<hbm>>)
      %dma_wait3A_255 = arith.constant 0 : i32
      %dma_wait3A_256 = tpu.memref_slice %arg6[%add3A_76, %dma_wait3A_255] : memref<256x128xi32, #tpu.memory_space<vmem>> -> memref<1x128xi32, #tpu.memory_space<vmem>>
      %dma_wait3A_257 = tpu.memref_squeeze %dma_wait3A_256 : memref<1x128xi32, #tpu.memory_space<vmem>> -> memref<128xi32, #tpu.memory_space<vmem>>
      %dma_wait3A_258 = arith.constant 0 : i32
      %dma_wait3A_259 = tpu.memref_slice %arg5[%add3A_76, %dma_wait3A_258] : memref<256x128xi32, #tpu.memory_space<vmem>> -> memref<1x128xi32, #tpu.memory_space<vmem>>
      %dma_wait3A_260 = tpu.memref_squeeze %dma_wait3A_259 : memref<1x128xi32, #tpu.memory_space<vmem>> -> memref<128xi32, #tpu.memory_space<vmem>>
      %dma_wait3A_261 = arith.constant 0 : i32
      %dma_wait3A_262 = tpu.memref_slice %arg4[%dma_wait3A_261] : memref<2056xi32, #tpu.memory_space<hbm>> -> memref<2056xi32, #tpu.memory_space<hbm>>
      tpu.wait_indirect_dma semaphore(%arg7 : memref<!tpu.dma_semaphore, #tpu.memory_space<semaphore_mem>>) src(%dma_wait3A_257 : memref<128xi32, #tpu.memory_space<vmem>>) dst(%dma_wait3A_262 : memref<2056xi32, #tpu.memory_space<hbm>>)
      %dma_wait3A_263 = arith.constant 0 : i32
      %dma_wait3A_264 = tpu.memref_slice %arg6[%add3A_89, %dma_wait3A_263] : memref<256x128xi32, #tpu.memory_space<vmem>> -> memref<1x128xi32, #tpu.memory_space<vmem>>
      %dma_wait3A_265 = tpu.memref_squeeze %dma_wait3A_264 : memref<1x128xi32, #tpu.memory_space<vmem>> -> memref<128xi32, #tpu.memory_space<vmem>>
      %dma_wait3A_266 = arith.constant 0 : i32
      %dma_wait3A_267 = tpu.memref_slice %arg5[%add3A_89, %dma_wait3A_266] : memref<256x128xi32, #tpu.memory_space<vmem>> -> memref<1x128xi32, #tpu.memory_space<vmem>>
      %dma_wait3A_268 = tpu.memref_squeeze %dma_wait3A_267 : memref<1x128xi32, #tpu.memory_space<vmem>> -> memref<128xi32, #tpu.memory_space<vmem>>
      %dma_wait3A_269 = arith.constant 0 : i32
      %dma_wait3A_270 = tpu.memref_slice %arg4[%dma_wait3A_269] : memref<2056xi32, #tpu.memory_space<hbm>> -> memref<2056xi32, #tpu.memory_space<hbm>>
      tpu.wait_indirect_dma semaphore(%arg7 : memref<!tpu.dma_semaphore, #tpu.memory_space<semaphore_mem>>) src(%dma_wait3A_265 : memref<128xi32, #tpu.memory_space<vmem>>) dst(%dma_wait3A_270 : memref<2056xi32, #tpu.memory_space<hbm>>)
      %dma_wait3A_271 = arith.constant 0 : i32
      %dma_wait3A_272 = tpu.memref_slice %arg6[%add3A_102, %dma_wait3A_271] : memref<256x128xi32, #tpu.memory_space<vmem>> -> memref<1x128xi32, #tpu.memory_space<vmem>>
      %dma_wait3A_273 = tpu.memref_squeeze %dma_wait3A_272 : memref<1x128xi32, #tpu.memory_space<vmem>> -> memref<128xi32, #tpu.memory_space<vmem>>
      %dma_wait3A_274 = arith.constant 0 : i32
      %dma_wait3A_275 = tpu.memref_slice %arg5[%add3A_102, %dma_wait3A_274] : memref<256x128xi32, #tpu.memory_space<vmem>> -> memref<1x128xi32, #tpu.memory_space<vmem>>
      %dma_wait3A_276 = tpu.memref_squeeze %dma_wait3A_275 : memref<1x128xi32, #tpu.memory_space<vmem>> -> memref<128xi32, #tpu.memory_space<vmem>>
      %dma_wait3A_277 = arith.constant 0 : i32
      %dma_wait3A_278 = tpu.memref_slice %arg4[%dma_wait3A_277] : memref<2056xi32, #tpu.memory_space<hbm>> -> memref<2056xi32, #tpu.memory_space<hbm>>
      tpu.wait_indirect_dma semaphore(%arg7 : memref<!tpu.dma_semaphore, #tpu.memory_space<semaphore_mem>>) src(%dma_wait3A_273 : memref<128xi32, #tpu.memory_space<vmem>>) dst(%dma_wait3A_278 : memref<2056xi32, #tpu.memory_space<hbm>>)
      %dma_wait3A_279 = arith.constant 0 : i32
      %dma_wait3A_280 = tpu.memref_slice %arg6[%add3A_115, %dma_wait3A_279] : memref<256x128xi32, #tpu.memory_space<vmem>> -> memref<1x128xi32, #tpu.memory_space<vmem>>
      %dma_wait3A_281 = tpu.memref_squeeze %dma_wait3A_280 : memref<1x128xi32, #tpu.memory_space<vmem>> -> memref<128xi32, #tpu.memory_space<vmem>>
      %dma_wait3A_282 = arith.constant 0 : i32
      %dma_wait3A_283 = tpu.memref_slice %arg5[%add3A_115, %dma_wait3A_282] : memref<256x128xi32, #tpu.memory_space<vmem>> -> memref<1x128xi32, #tpu.memory_space<vmem>>
      %dma_wait3A_284 = tpu.memref_squeeze %dma_wait3A_283 : memref<1x128xi32, #tpu.memory_space<vmem>> -> memref<128xi32, #tpu.memory_space<vmem>>
      %dma_wait3A_285 = arith.constant 0 : i32
      %dma_wait3A_286 = tpu.memref_slice %arg4[%dma_wait3A_285] : memref<2056xi32, #tpu.memory_space<hbm>> -> memref<2056xi32, #tpu.memory_space<hbm>>
      tpu.wait_indirect_dma semaphore(%arg7 : memref<!tpu.dma_semaphore, #tpu.memory_space<semaphore_mem>>) src(%dma_wait3A_281 : memref<128xi32, #tpu.memory_space<vmem>>) dst(%dma_wait3A_286 : memref<2056xi32, #tpu.memory_space<hbm>>)
      %dma_wait3A_287 = arith.constant 0 : i32
      %dma_wait3A_288 = tpu.memref_slice %arg6[%add3A_128, %dma_wait3A_287] : memref<256x128xi32, #tpu.memory_space<vmem>> -> memref<1x128xi32, #tpu.memory_space<vmem>>
      %dma_wait3A_289 = tpu.memref_squeeze %dma_wait3A_288 : memref<1x128xi32, #tpu.memory_space<vmem>> -> memref<128xi32, #tpu.memory_space<vmem>>
      %dma_wait3A_290 = arith.constant 0 : i32
      %dma_wait3A_291 = tpu.memref_slice %arg5[%add3A_128, %dma_wait3A_290] : memref<256x128xi32, #tpu.memory_space<vmem>> -> memref<1x128xi32, #tpu.memory_space<vmem>>
      %dma_wait3A_292 = tpu.memref_squeeze %dma_wait3A_291 : memref<1x128xi32, #tpu.memory_space<vmem>> -> memref<128xi32, #tpu.memory_space<vmem>>
      %dma_wait3A_293 = arith.constant 0 : i32
      %dma_wait3A_294 = tpu.memref_slice %arg4[%dma_wait3A_293] : memref<2056xi32, #tpu.memory_space<hbm>> -> memref<2056xi32, #tpu.memory_space<hbm>>
      tpu.wait_indirect_dma semaphore(%arg7 : memref<!tpu.dma_semaphore, #tpu.memory_space<semaphore_mem>>) src(%dma_wait3A_289 : memref<128xi32, #tpu.memory_space<vmem>>) dst(%dma_wait3A_294 : memref<2056xi32, #tpu.memory_space<hbm>>)
      %dma_wait3A_295 = arith.constant 0 : i32
      %dma_wait3A_296 = tpu.memref_slice %arg6[%add3A_141, %dma_wait3A_295] : memref<256x128xi32, #tpu.memory_space<vmem>> -> memref<1x128xi32, #tpu.memory_space<vmem>>
      %dma_wait3A_297 = tpu.memref_squeeze %dma_wait3A_296 : memref<1x128xi32, #tpu.memory_space<vmem>> -> memref<128xi32, #tpu.memory_space<vmem>>
      %dma_wait3A_298 = arith.constant 0 : i32
      %dma_wait3A_299 = tpu.memref_slice %arg5[%add3A_141, %dma_wait3A_298] : memref<256x128xi32, #tpu.memory_space<vmem>> -> memref<1x128xi32, #tpu.memory_space<vmem>>
      %dma_wait3A_300 = tpu.memref_squeeze %dma_wait3A_299 : memref<1x128xi32, #tpu.memory_space<vmem>> -> memref<128xi32, #tpu.memory_space<vmem>>
      %dma_wait3A_301 = arith.constant 0 : i32
      %dma_wait3A_302 = tpu.memref_slice %arg4[%dma_wait3A_301] : memref<2056xi32, #tpu.memory_space<hbm>> -> memref<2056xi32, #tpu.memory_space<hbm>>
      tpu.wait_indirect_dma semaphore(%arg7 : memref<!tpu.dma_semaphore, #tpu.memory_space<semaphore_mem>>) src(%dma_wait3A_297 : memref<128xi32, #tpu.memory_space<vmem>>) dst(%dma_wait3A_302 : memref<2056xi32, #tpu.memory_space<hbm>>)
      %dma_wait3A_303 = arith.constant 0 : i32
      %dma_wait3A_304 = tpu.memref_slice %arg6[%add3A_154, %dma_wait3A_303] : memref<256x128xi32, #tpu.memory_space<vmem>> -> memref<1x128xi32, #tpu.memory_space<vmem>>
      %dma_wait3A_305 = tpu.memref_squeeze %dma_wait3A_304 : memref<1x128xi32, #tpu.memory_space<vmem>> -> memref<128xi32, #tpu.memory_space<vmem>>
      %dma_wait3A_306 = arith.constant 0 : i32
      %dma_wait3A_307 = tpu.memref_slice %arg5[%add3A_154, %dma_wait3A_306] : memref<256x128xi32, #tpu.memory_space<vmem>> -> memref<1x128xi32, #tpu.memory_space<vmem>>
      %dma_wait3A_308 = tpu.memref_squeeze %dma_wait3A_307 : memref<1x128xi32, #tpu.memory_space<vmem>> -> memref<128xi32, #tpu.memory_space<vmem>>
      %dma_wait3A_309 = arith.constant 0 : i32
      %dma_wait3A_310 = tpu.memref_slice %arg4[%dma_wait3A_309] : memref<2056xi32, #tpu.memory_space<hbm>> -> memref<2056xi32, #tpu.memory_space<hbm>>
      tpu.wait_indirect_dma semaphore(%arg7 : memref<!tpu.dma_semaphore, #tpu.memory_space<semaphore_mem>>) src(%dma_wait3A_305 : memref<128xi32, #tpu.memory_space<vmem>>) dst(%dma_wait3A_310 : memref<2056xi32, #tpu.memory_space<hbm>>)
      %dma_wait3A_311 = arith.constant 0 : i32
      %dma_wait3A_312 = tpu.memref_slice %arg6[%add3A_167, %dma_wait3A_311] : memref<256x128xi32, #tpu.memory_space<vmem>> -> memref<1x128xi32, #tpu.memory_space<vmem>>
      %dma_wait3A_313 = tpu.memref_squeeze %dma_wait3A_312 : memref<1x128xi32, #tpu.memory_space<vmem>> -> memref<128xi32, #tpu.memory_space<vmem>>
      %dma_wait3A_314 = arith.constant 0 : i32
      %dma_wait3A_315 = tpu.memref_slice %arg5[%add3A_167, %dma_wait3A_314] : memref<256x128xi32, #tpu.memory_space<vmem>> -> memref<1x128xi32, #tpu.memory_space<vmem>>
      %dma_wait3A_316 = tpu.memref_squeeze %dma_wait3A_315 : memref<1x128xi32, #tpu.memory_space<vmem>> -> memref<128xi32, #tpu.memory_space<vmem>>
      %dma_wait3A_317 = arith.constant 0 : i32
      %dma_wait3A_318 = tpu.memref_slice %arg4[%dma_wait3A_317] : memref<2056xi32, #tpu.memory_space<hbm>> -> memref<2056xi32, #tpu.memory_space<hbm>>
      tpu.wait_indirect_dma semaphore(%arg7 : memref<!tpu.dma_semaphore, #tpu.memory_space<semaphore_mem>>) src(%dma_wait3A_313 : memref<128xi32, #tpu.memory_space<vmem>>) dst(%dma_wait3A_318 : memref<2056xi32, #tpu.memory_space<hbm>>)
      %dma_wait3A_319 = arith.constant 0 : i32
      %dma_wait3A_320 = tpu.memref_slice %arg6[%add3A_180, %dma_wait3A_319] : memref<256x128xi32, #tpu.memory_space<vmem>> -> memref<1x128xi32, #tpu.memory_space<vmem>>
      %dma_wait3A_321 = tpu.memref_squeeze %dma_wait3A_320 : memref<1x128xi32, #tpu.memory_space<vmem>> -> memref<128xi32, #tpu.memory_space<vmem>>
      %dma_wait3A_322 = arith.constant 0 : i32
      %dma_wait3A_323 = tpu.memref_slice %arg5[%add3A_180, %dma_wait3A_322] : memref<256x128xi32, #tpu.memory_space<vmem>> -> memref<1x128xi32, #tpu.memory_space<vmem>>
      %dma_wait3A_324 = tpu.memref_squeeze %dma_wait3A_323 : memref<1x128xi32, #tpu.memory_space<vmem>> -> memref<128xi32, #tpu.memory_space<vmem>>
      %dma_wait3A_325 = arith.constant 0 : i32
      %dma_wait3A_326 = tpu.memref_slice %arg4[%dma_wait3A_325] : memref<2056xi32, #tpu.memory_space<hbm>> -> memref<2056xi32, #tpu.memory_space<hbm>>
      tpu.wait_indirect_dma semaphore(%arg7 : memref<!tpu.dma_semaphore, #tpu.memory_space<semaphore_mem>>) src(%dma_wait3A_321 : memref<128xi32, #tpu.memory_space<vmem>>) dst(%dma_wait3A_326 : memref<2056xi32, #tpu.memory_space<hbm>>)
      %dma_wait3A_327 = arith.constant 0 : i32
      %dma_wait3A_328 = tpu.memref_slice %arg6[%add3A_193, %dma_wait3A_327] : memref<256x128xi32, #tpu.memory_space<vmem>> -> memref<1x128xi32, #tpu.memory_space<vmem>>
      %dma_wait3A_329 = tpu.memref_squeeze %dma_wait3A_328 : memref<1x128xi32, #tpu.memory_space<vmem>> -> memref<128xi32, #tpu.memory_space<vmem>>
      %dma_wait3A_330 = arith.constant 0 : i32
      %dma_wait3A_331 = tpu.memref_slice %arg5[%add3A_193, %dma_wait3A_330] : memref<256x128xi32, #tpu.memory_space<vmem>> -> memref<1x128xi32, #tpu.memory_space<vmem>>
      %dma_wait3A_332 = tpu.memref_squeeze %dma_wait3A_331 : memref<1x128xi32, #tpu.memory_space<vmem>> -> memref<128xi32, #tpu.memory_space<vmem>>
      %dma_wait3A_333 = arith.constant 0 : i32
      %dma_wait3A_334 = tpu.memref_slice %arg4[%dma_wait3A_333] : memref<2056xi32, #tpu.memory_space<hbm>> -> memref<2056xi32, #tpu.memory_space<hbm>>
      tpu.wait_indirect_dma semaphore(%arg7 : memref<!tpu.dma_semaphore, #tpu.memory_space<semaphore_mem>>) src(%dma_wait3A_329 : memref<128xi32, #tpu.memory_space<vmem>>) dst(%dma_wait3A_334 : memref<2056xi32, #tpu.memory_space<hbm>>)
      %dma_wait3A_335 = arith.constant 0 : i32
      %dma_wait3A_336 = tpu.memref_slice %arg6[%add3A_206, %dma_wait3A_335] : memref<256x128xi32, #tpu.memory_space<vmem>> -> memref<1x128xi32, #tpu.memory_space<vmem>>
      %dma_wait3A_337 = tpu.memref_squeeze %dma_wait3A_336 : memref<1x128xi32, #tpu.memory_space<vmem>> -> memref<128xi32, #tpu.memory_space<vmem>>
      %dma_wait3A_338 = arith.constant 0 : i32
      %dma_wait3A_339 = tpu.memref_slice %arg5[%add3A_206, %dma_wait3A_338] : memref<256x128xi32, #tpu.memory_space<vmem>> -> memref<1x128xi32, #tpu.memory_space<vmem>>
      %dma_wait3A_340 = tpu.memref_squeeze %dma_wait3A_339 : memref<1x128xi32, #tpu.memory_space<vmem>> -> memref<128xi32, #tpu.memory_space<vmem>>
      %dma_wait3A_341 = arith.constant 0 : i32
      %dma_wait3A_342 = tpu.memref_slice %arg4[%dma_wait3A_341] : memref<2056xi32, #tpu.memory_space<hbm>> -> memref<2056xi32, #tpu.memory_space<hbm>>
      tpu.wait_indirect_dma semaphore(%arg7 : memref<!tpu.dma_semaphore, #tpu.memory_space<semaphore_mem>>) src(%dma_wait3A_337 : memref<128xi32, #tpu.memory_space<vmem>>) dst(%dma_wait3A_342 : memref<2056xi32, #tpu.memory_space<hbm>>)
    }
    %scan3A_7 = arith.constant 16 : i32
    return
  }
}

module attributes {stable_mosaic.version = 14 : i64} {
  func.func @_select_body(%arg0: i32, %arg1: memref<1024x1024xf32, #tpu.memory_space<vmem>>, %arg2: memref<1024x1024xf32, #tpu.memory_space<vmem>>, %arg3: memref<1024x1024xi32, #tpu.memory_space<vmem>>) attributes {dimension_semantics = [#tpu.dimension_semantics<arbitrary>], iteration_bounds = array<i64: 1>, scalar_prefetch = 0 : i64, scratch_operands = 0 : i64, tpu.core_type = #tpu.core_type<tc>, window_params = [{pipeline_mode = #tpu.pipeline_mode<synchronous>, transform_indices = @transform_0, window_bounds = array<i64: 1024, 1024>}, {pipeline_mode = #tpu.pipeline_mode<synchronous>, transform_indices = @transform_1, window_bounds = array<i64: 1024, 1024>}, {pipeline_mode = #tpu.pipeline_mode<synchronous>, transform_indices = @transform_2, window_bounds = array<i64: 1024, 1024>}]} {
    %get3A = arith.constant 0 : index
    %get3A_0 = arith.constant 0 : index
    %get3A_1 = vector.load %arg1[%get3A, %get3A_0] : memref<1024x1024xf32, #tpu.memory_space<vmem>>, vector<1024x1024xf32>
    %add3A = arith.constant 1.000000e-10 : f32
    %add3A_2 = vector.broadcast %add3A : f32 to vector<1024x1024xf32>
    %add3A_3 = arith.addf %get3A_1, %add3A_2 : vector<1024x1024xf32>
    %log3A = math.log %add3A_3 : vector<1024x1024xf32>
    %get3A_4 = arith.constant 0 : index
    %get3A_5 = arith.constant 0 : index
    %get3A_6 = vector.load %arg2[%get3A_4, %get3A_5] : memref<1024x1024xf32, #tpu.memory_space<vmem>>, vector<1024x1024xf32>
    %add3A_7 = arith.addf %log3A, %get3A_6 : vector<1024x1024xf32>
    %bitcast_convert_type3A = tpu.bitcast %add3A_7 : vector<1024x1024xf32> -> vector<1024x1024xi32>
    %shift_right_logical3A = arith.constant 31 : i32
    %shift_right_logical3A_8 = vector.broadcast %shift_right_logical3A : i32 to vector<1024x1024xi32>
    %shift_right_logical3A_9 = arith.shrui %bitcast_convert_type3A, %shift_right_logical3A_8 : vector<1024x1024xi32>
    %eq3A = arith.constant 1 : i32
    %eq3A_10 = vector.broadcast %eq3A : i32 to vector<1024x1024xi32>
    %eq3A_11 = arith.cmpi eq, %shift_right_logical3A_9, %eq3A_10 : vector<1024x1024xi32>
    %not3A = arith.constant dense<-1> : vector<1024x1024xi32>
    %not3A_12 = arith.xori %bitcast_convert_type3A, %not3A : vector<1024x1024xi32>
    %or3A = arith.constant -2147483648 : i32
    %or3A_13 = vector.broadcast %or3A : i32 to vector<1024x1024xi32>
    %or3A_14 = arith.ori %bitcast_convert_type3A, %or3A_13 : vector<1024x1024xi32>
    %select_n3A = arith.select %eq3A_11, %not3A_12, %or3A_14 : vector<1024x1024xi1>, vector<1024x1024xi32>
    %iota3A = tpu.iota {dimensions = array<i32: 0>} : vector<1024x1024xi32>
    %iota3A_15 = tpu.iota {dimensions = array<i32: 1>} : vector<1024x1024xi32>
    %mul3A = arith.constant 1024 : i32
    %mul3A_16 = vector.broadcast %mul3A : i32 to vector<1024x1024xi32>
    %mul3A_17 = arith.muli %iota3A, %mul3A_16 : vector<1024x1024xi32>
    %add3A_18 = arith.addi %mul3A_17, %iota3A_15 : vector<1024x1024xi32>
    %scan3A = arith.constant 0 : i32
    %scan3A_19 = arith.constant 0 : i32
    %scan3A_20 = arith.constant 32 : i32
    %scan3A_21 = arith.addi %scan3A_19, %scan3A_20 : i32
    %scan3A_22 = arith.constant 1 : i32
    %scan3A_23 = scf.for %scan3A_71 = %scan3A_19 to %scan3A_21 step %scan3A_22 iter_args(%scan3A_72 = %scan3A) -> (i32)  : i32 {
      %sub3A_73 = arith.constant 31 : i32
      %sub3A_74 = arith.subi %sub3A_73, %scan3A_71 : i32
      %shift_left3A = arith.constant 1 : i32
      %shift_left3A_75 = arith.shli %shift_left3A, %sub3A_74 : i32
      %or3A_76 = arith.ori %scan3A_72, %shift_left3A_75 : i32
      %ge3A = vector.broadcast %or3A_76 : i32 to vector<1024x1024xi32>
      %ge3A_77 = arith.cmpi uge, %select_n3A, %ge3A : vector<1024x1024xi32>
      %convert_element_type3A_78 = arith.extui %ge3A_77 : vector<1024x1024xi1> to vector<1024x1024xi32>
      %reduce_sum3A_79 = vector.shape_cast %convert_element_type3A_78 : vector<1024x1024xi32> to vector<1x1024x1024xi32>
      %reduce_sum3A_80 = arith.constant dense<0> : vector<1xi32>
      %reduce_sum3A_81 = vector.multi_reduction <add>, %reduce_sum3A_79, %reduce_sum3A_80 [1, 2] : vector<1x1024x1024xi32> to vector<1xi32>
      %reduce_sum3A_82 = vector.shape_cast %reduce_sum3A_81 : vector<1xi32> to vector<1x1x1xi32>
      %reduce_sum3A_83 = vector.extract %reduce_sum3A_82[0, 0, 0] : i32 from vector<1x1x1xi32>
      %ge3A_84 = arith.constant 2048 : i32
      %ge3A_85 = arith.cmpi sge, %reduce_sum3A_83, %ge3A_84 : i32
      %select_n3A_86 = arith.select %ge3A_85, %or3A_76, %scan3A_72 : i32
      scf.yield %select_n3A_86 : i32
    }
    %scan3A_24 = arith.constant 32 : i32
    %gt3A = vector.broadcast %scan3A_23 : i32 to vector<1024x1024xi32>
    %gt3A_25 = arith.cmpi ugt, %select_n3A, %gt3A : vector<1024x1024xi32>
    %convert_element_type3A = arith.extui %gt3A_25 : vector<1024x1024xi1> to vector<1024x1024xi32>
    %reduce_sum3A = vector.shape_cast %convert_element_type3A : vector<1024x1024xi32> to vector<1x1024x1024xi32>
    %reduce_sum3A_26 = arith.constant dense<0> : vector<1xi32>
    %reduce_sum3A_27 = vector.multi_reduction <add>, %reduce_sum3A, %reduce_sum3A_26 [1, 2] : vector<1x1024x1024xi32> to vector<1xi32>
    %reduce_sum3A_28 = vector.shape_cast %reduce_sum3A_27 : vector<1xi32> to vector<1x1x1xi32>
    %reduce_sum3A_29 = vector.extract %reduce_sum3A_28[0, 0, 0] : i32 from vector<1x1x1xi32>
    %sub3A = arith.constant 2048 : i32
    %sub3A_30 = arith.subi %sub3A, %reduce_sum3A_29 : i32
    %scan3A_31 = arith.constant 0 : i32
    %scan3A_32 = arith.constant 0 : i32
    %scan3A_33 = arith.constant 20 : i32
    %scan3A_34 = arith.addi %scan3A_32, %scan3A_33 : i32
    %scan3A_35 = arith.constant 1 : i32
    %scan3A_36 = scf.for %scan3A_71 = %scan3A_32 to %scan3A_34 step %scan3A_35 iter_args(%scan3A_72 = %scan3A_31) -> (i32)  : i32 {
      %sub3A_73 = arith.constant 19 : i32
      %sub3A_74 = arith.subi %sub3A_73, %scan3A_71 : i32
      %shift_left3A = arith.constant 1 : i32
      %shift_left3A_75 = arith.shli %shift_left3A, %sub3A_74 : i32
      %or3A_76 = arith.ori %scan3A_72, %shift_left3A_75 : i32
      %eq3A_77 = vector.broadcast %scan3A_23 : i32 to vector<1024x1024xi32>
      %eq3A_78 = arith.cmpi eq, %select_n3A, %eq3A_77 : vector<1024x1024xi32>
      %le3A_79 = vector.broadcast %or3A_76 : i32 to vector<1024x1024xi32>
      %le3A_80 = arith.cmpi sle, %add3A_18, %le3A_79 : vector<1024x1024xi32>
      %and3A_81 = arith.andi %eq3A_78, %le3A_80 : vector<1024x1024xi1>
      %convert_element_type3A_82 = arith.extui %and3A_81 : vector<1024x1024xi1> to vector<1024x1024xi32>
      %reduce_sum3A_83 = vector.shape_cast %convert_element_type3A_82 : vector<1024x1024xi32> to vector<1x1024x1024xi32>
      %reduce_sum3A_84 = arith.constant dense<0> : vector<1xi32>
      %reduce_sum3A_85 = vector.multi_reduction <add>, %reduce_sum3A_83, %reduce_sum3A_84 [1, 2] : vector<1x1024x1024xi32> to vector<1xi32>
      %reduce_sum3A_86 = vector.shape_cast %reduce_sum3A_85 : vector<1xi32> to vector<1x1x1xi32>
      %reduce_sum3A_87 = vector.extract %reduce_sum3A_86[0, 0, 0] : i32 from vector<1x1x1xi32>
      %le3A_88 = arith.cmpi sle, %reduce_sum3A_87, %sub3A_30 : i32
      %select_n3A_89 = arith.select %le3A_88, %or3A_76, %scan3A_72 : i32
      scf.yield %select_n3A_89 : i32
    }
    %scan3A_37 = arith.constant 20 : i32
    %gt3A_38 = vector.broadcast %scan3A_23 : i32 to vector<1024x1024xi32>
    %gt3A_39 = arith.cmpi ugt, %select_n3A, %gt3A_38 : vector<1024x1024xi32>
    %eq3A_40 = vector.broadcast %scan3A_23 : i32 to vector<1024x1024xi32>
    %eq3A_41 = arith.cmpi eq, %select_n3A, %eq3A_40 : vector<1024x1024xi32>
    %le3A = vector.broadcast %scan3A_36 : i32 to vector<1024x1024xi32>
    %le3A_42 = arith.cmpi sle, %add3A_18, %le3A : vector<1024x1024xi32>
    %and3A = arith.andi %eq3A_41, %le3A_42 : vector<1024x1024xi1>
    %or3A_43 = arith.ori %gt3A_39, %and3A : vector<1024x1024xi1>
    %convert_element_type3A_44 = arith.extui %or3A_43 : vector<1024x1024xi1> to vector<1024x1024xi32>
    %convert_element_type3A_45 = arith.sitofp %convert_element_type3A_44 : vector<1024x1024xi32> to vector<1024x1024xf32>
    %reduce_sum3A_46 = arith.constant dense<0.000000e+00> : vector<1024xf32>
    %reduce_sum3A_47 = vector.multi_reduction <add>, %convert_element_type3A_45, %reduce_sum3A_46 [1] : vector<1024x1024xf32> to vector<1024xf32>
    %broadcast_in_dim3A = vector.shape_cast %reduce_sum3A_47 : vector<1024xf32> to vector<1024x1xf32>
    %iota3A_48 = tpu.iota {dimensions = array<i32: 0>} : vector<1024x1024xi32>
    %iota3A_49 = tpu.iota {dimensions = array<i32: 1>} : vector<1024x1024xi32>
    %le3A_50 = arith.cmpi sle, %iota3A_48, %iota3A_49 : vector<1024x1024xi32>
    %convert_element_type3A_51 = arith.extui %le3A_50 : vector<1024x1024xi1> to vector<1024x1024xi32>
    %convert_element_type3A_52 = arith.sitofp %convert_element_type3A_51 : vector<1024x1024xi32> to vector<1024x1024xf32>
    %dot_general3A = arith.constant dense<0.000000e+00> : vector<1024x1024xf32>
    %dot_general3A_53 = tpu.matmul %convert_element_type3A_45, %convert_element_type3A_52, %dot_general3A {dimension_numbers = #tpu.dot_dimension_numbers<[1], [0], [0], [1], [0, 0, 1, 1], [], []>, transpose_lhs_hint = false} : vector<1024x1024xf32>, vector<1024x1024xf32>, vector<1024x1024xf32> -> vector<1024x1024xf32>
    %iota3A_54 = tpu.iota {dimensions = array<i32: 0>} : vector<1024x1024xi32>
    %iota3A_55 = tpu.iota {dimensions = array<i32: 1>} : vector<1024x1024xi32>
    %gt3A_56 = arith.cmpi sgt, %iota3A_54, %iota3A_55 : vector<1024x1024xi32>
    %convert_element_type3A_57 = arith.extui %gt3A_56 : vector<1024x1024xi1> to vector<1024x1024xi32>
    %convert_element_type3A_58 = arith.sitofp %convert_element_type3A_57 : vector<1024x1024xi32> to vector<1024x1024xf32>
    %dot_general3A_59 = arith.constant dense<0.000000e+00> : vector<1024x1xf32>
    %dot_general3A_60 = tpu.matmul %convert_element_type3A_58, %broadcast_in_dim3A, %dot_general3A_59 {dimension_numbers = #tpu.dot_dimension_numbers<[1], [0], [0], [1], [0, 0, 1, 1], [], []>, transpose_lhs_hint = false} : vector<1024x1024xf32>, vector<1024x1xf32>, vector<1024x1xf32> -> vector<1024x1xf32>
    %add3A_61 = vector.broadcast %dot_general3A_60 : vector<1024x1xf32> to vector<1024x1024xf32>
    %add3A_62 = arith.addf %add3A_61, %dot_general3A_53 : vector<1024x1024xf32>
    %sub3A_63 = arith.constant 1.000000e+00 : f32
    %sub3A_64 = vector.broadcast %sub3A_63 : f32 to vector<1024x1024xf32>
    %sub3A_65 = arith.subf %add3A_62, %sub3A_64 : vector<1024x1024xf32>
    %convert_element_type3A_66 = arith.fptosi %sub3A_65 : vector<1024x1024xf32> to vector<1024x1024xi32>
    %jit3A = arith.constant 2048 : i32
    %broadcast_in_dim3A_67 = vector.broadcast %jit3A : i32 to vector<1024x1024xi32>
    %select_n3A_68 = arith.select %or3A_43, %convert_element_type3A_66, %broadcast_in_dim3A_67 : vector<1024x1024xi1>, vector<1024x1024xi32>
    %swap3A = arith.constant 0 : index
    %swap3A_69 = arith.constant 0 : index
    %swap3A_70 = vector.load %arg3[%swap3A, %swap3A_69] : memref<1024x1024xi32, #tpu.memory_space<vmem>>, vector<1024x1024xi32>
    tpu.vector_store %arg3[%swap3A, %swap3A_69], %select_n3A_68 {strides = array<i32>} : memref<1024x1024xi32, #tpu.memory_space<vmem>>, vector<1024x1024xi32>,
    return
  }
  func.func @transform_0(%arg0: i32) -> (i32, i32) {
    %c0_i32 = arith.constant 0 : i32
    %c0_i32_0 = arith.constant 0 : i32
    %c0_i32_1 = arith.constant 0 : i32
    return %c0_i32, %c0_i32_0 : i32, i32
  }
  func.func @transform_1(%arg0: i32) -> (i32, i32) {
    %c0_i32 = arith.constant 0 : i32
    %c0_i32_0 = arith.constant 0 : i32
    %c0_i32_1 = arith.constant 0 : i32
    return %c0_i32, %c0_i32_0 : i32, i32
  }
  func.func @transform_2(%arg0: i32) -> (i32, i32) {
    %c0_i32 = arith.constant 0 : i32
    %c0_i32_0 = arith.constant 0 : i32
    %c0_i32_1 = arith.constant 0 : i32
    return %c0_i32, %c0_i32_0 : i32, i32
  }
}

module attributes {stable_mosaic.version = 14 : i64} {
  func.func @_loss_body(%arg0: i32, %arg1: memref<64x20x64xf32, #tpu.memory_space<vmem>>, %arg2: memref<1280x64xf32, #tpu.memory_space<vmem>>, %arg3: memref<1280x1xi32, #tpu.memory_space<vmem>>, %arg4: memref<1280x1xf32, #tpu.memory_space<vmem>>, %arg5: memref<2048x64xf32, #tpu.memory_space<vmem>>, %arg6: memref<1x2048xi32, #tpu.memory_space<vmem>>, %arg7: memref<1x2048xf32, #tpu.memory_space<vmem>>, %arg8: memref<1x1xf32, #tpu.memory_space<vmem>>, %arg9: memref<1x1xf32, #tpu.memory_space<smem>>, %arg10: memref<1x1xf32, #tpu.memory_space<smem>>) attributes {dimension_semantics = [#tpu.dimension_semantics<arbitrary>], iteration_bounds = array<i64: 16>, scalar_prefetch = 0 : i64, scratch_operands = 2 : i64, tpu.core_type = #tpu.core_type<tc>, window_params = [{transform_indices = @transform_0, window_bounds = array<i64: 64, 20, 64>}, {transform_indices = @transform_1, window_bounds = array<i64: 1280, 64>}, {transform_indices = @transform_2, window_bounds = array<i64: 1280, 1>}, {transform_indices = @transform_3, window_bounds = array<i64: 1280, 1>}, {pipeline_mode = #tpu.pipeline_mode<synchronous>, transform_indices = @transform_4, window_bounds = array<i64: 2048, 64>}, {pipeline_mode = #tpu.pipeline_mode<synchronous>, transform_indices = @transform_5, window_bounds = array<i64: 1, 2048>}, {pipeline_mode = #tpu.pipeline_mode<synchronous>, transform_indices = @transform_6, window_bounds = array<i64: 1, 2048>}, {pipeline_mode = #tpu.pipeline_mode<synchronous>, transform_indices = @transform_7, window_bounds = array<i64: 1, 1>}]} {
    %eq3A = arith.constant 0 : i32
    %eq3A_0 = arith.cmpi eq, %arg0, %eq3A : i32
    %convert_element_type3A = arith.extui %eq3A_0 : i1 to i32
    %cond3A = arith.constant 0 : i32
    %cond3A_1 = arith.cmpi ne, %convert_element_type3A, %cond3A : i32
    scf.if %cond3A_1 {
      %swap3A_85 = arith.constant 0.000000e+00 : f32
      %swap3A_86 = arith.constant 0 : index
      %swap3A_87 = arith.constant 0 : index
      %swap3A_88 = memref.load %arg9[%swap3A_86, %swap3A_87] : memref<1x1xf32, #tpu.memory_space<smem>>
      memref.store %swap3A_85, %arg9[%swap3A_86, %swap3A_87] : memref<1x1xf32, #tpu.memory_space<smem>>
      %swap3A_89 = arith.constant 0.000000e+00 : f32
      %swap3A_90 = arith.constant 0 : index
      %swap3A_91 = arith.constant 0 : index
      %swap3A_92 = memref.load %arg10[%swap3A_90, %swap3A_91] : memref<1x1xf32, #tpu.memory_space<smem>>
      memref.store %swap3A_89, %arg10[%swap3A_90, %swap3A_91] : memref<1x1xf32, #tpu.memory_space<smem>>
    } else {
    }
    %get3A = arith.constant 0 : index
    %get3A_2 = arith.constant 0 : index
    %get3A_3 = arith.constant 0 : index
    %get3A_4 = vector.load %arg1[%get3A, %get3A_2, %get3A_3] : memref<64x20x64xf32, #tpu.memory_space<vmem>>, vector<64x20x64xf32>
    %reshape3A = vector.shape_cast %get3A_4 : vector<64x20x64xf32> to vector<1280x64xf32>
    %get3A_5 = arith.constant 0 : index
    %get3A_6 = arith.constant 0 : index
    %get3A_7 = vector.load %arg5[%get3A_5, %get3A_6] : memref<2048x64xf32, #tpu.memory_space<vmem>>, vector<2048x64xf32>
    %dot_general3A = arith.constant dense<0.000000e+00> : vector<1280x2048xf32>
    %dot_general3A_8 = tpu.matmul %reshape3A, %get3A_7, %dot_general3A {dimension_numbers = #tpu.dot_dimension_numbers<[1], [1], [0], [0], [0, 0, 1, 0], [], []>, transpose_lhs_hint = false} : vector<1280x64xf32>, vector<2048x64xf32>, vector<1280x2048xf32> -> vector<1280x2048xf32>
    %get3A_9 = arith.constant 0 : index
    %get3A_10 = arith.constant 0 : index
    %get3A_11 = vector.load %arg3[%get3A_9, %get3A_10] : memref<1280x1xi32, #tpu.memory_space<vmem>>, vector<1280x1xi32>
    %get3A_12 = arith.constant 0 : index
    %get3A_13 = arith.constant 0 : index
    %get3A_14 = vector.load %arg6[%get3A_12, %get3A_13] : memref<1x2048xi32, #tpu.memory_space<vmem>>, vector<1x2048xi32>
    %get3A_15 = arith.constant 0 : index
    %get3A_16 = arith.constant 0 : index
    %get3A_17 = vector.load %arg7[%get3A_15, %get3A_16] : memref<1x2048xf32, #tpu.memory_space<vmem>>, vector<1x2048xf32>
    %add3A = arith.constant 1.000000e-10 : f32
    %add3A_18 = vector.broadcast %add3A : f32 to vector<1x2048xf32>
    %add3A_19 = arith.addf %get3A_17, %add3A_18 : vector<1x2048xf32>
    %log3A = math.log %add3A_19 : vector<1x2048xf32>
    %eq3A_20 = vector.broadcast %get3A_11 : vector<1280x1xi32> to vector<1280x2048xi32>
    %eq3A_21 = vector.broadcast %get3A_14 : vector<1x2048xi32> to vector<1280x2048xi32>
    %eq3A_22 = arith.cmpi eq, %eq3A_20, %eq3A_21 : vector<1280x2048xi32>
    %jit3A = arith.constant -1.000000e+09 : f32
    %broadcast_in_dim3A = vector.broadcast %jit3A : f32 to vector<1280x2048xf32>
    %select_n3A = arith.select %eq3A_22, %broadcast_in_dim3A, %dot_general3A_8 : vector<1280x2048xi1>, vector<1280x2048xf32>
    %sub3A = vector.broadcast %log3A : vector<1x2048xf32> to vector<1280x2048xf32>
    %sub3A_23 = arith.subf %select_n3A, %sub3A : vector<1280x2048xf32>
    %get3A_24 = arith.constant 0 : index
    %get3A_25 = arith.constant 0 : index
    %get3A_26 = vector.load %arg2[%get3A_24, %get3A_25] : memref<1280x64xf32, #tpu.memory_space<vmem>>, vector<1280x64xf32>
    %mul3A = arith.mulf %reshape3A, %get3A_26 : vector<1280x64xf32>
    %reduce_sum3A = arith.constant dense<0.000000e+00> : vector<1280xf32>
    %reduce_sum3A_27 = vector.multi_reduction <add>, %mul3A, %reduce_sum3A [1] : vector<1280x64xf32> to vector<1280xf32>
    %broadcast_in_dim3A_28 = vector.shape_cast %reduce_sum3A_27 : vector<1280xf32> to vector<1280x1xf32>
    %get3A_29 = arith.constant 0 : index
    %get3A_30 = arith.constant 0 : index
    %get3A_31 = vector.load %arg4[%get3A_29, %get3A_30] : memref<1280x1xf32, #tpu.memory_space<vmem>>, vector<1280x1xf32>
    %add3A_32 = arith.constant 1.000000e-10 : f32
    %add3A_33 = vector.broadcast %add3A_32 : f32 to vector<1280x1xf32>
    %add3A_34 = arith.addf %get3A_31, %add3A_33 : vector<1280x1xf32>
    %log3A_35 = math.log %add3A_34 : vector<1280x1xf32>
    %sub3A_36 = arith.subf %broadcast_in_dim3A_28, %log3A_35 : vector<1280x1xf32>
    %reduce_max3A = arith.constant dense<0xFF800000> : vector<1280xf32>
    %reduce_max3A_37 = vector.multi_reduction <maximumf>, %sub3A_23, %reduce_max3A [1] : vector<1280x2048xf32> to vector<1280xf32>
    %broadcast_in_dim3A_38 = vector.shape_cast %reduce_max3A_37 : vector<1280xf32> to vector<1280x1xf32>
    %max3A = arith.maximumf %broadcast_in_dim3A_38, %sub3A_36 : vector<1280x1xf32>
    %sub3A_39 = vector.broadcast %max3A : vector<1280x1xf32> to vector<1280x2048xf32>
    %sub3A_40 = arith.subf %sub3A_23, %sub3A_39 : vector<1280x2048xf32>
    %exp3A = math.exp %sub3A_40 : vector<1280x2048xf32>
    %reduce_sum3A_41 = arith.constant dense<0.000000e+00> : vector<1280xf32>
    %reduce_sum3A_42 = vector.multi_reduction <add>, %exp3A, %reduce_sum3A_41 [1] : vector<1280x2048xf32> to vector<1280xf32>
    %broadcast_in_dim3A_43 = vector.shape_cast %reduce_sum3A_42 : vector<1280xf32> to vector<1280x1xf32>
    %sub3A_44 = arith.subf %sub3A_36, %max3A : vector<1280x1xf32>
    %exp3A_45 = math.exp %sub3A_44 : vector<1280x1xf32>
    %add3A_46 = arith.addf %broadcast_in_dim3A_43, %exp3A_45 : vector<1280x1xf32>
    %log3A_47 = math.log %add3A_46 : vector<1280x1xf32>
    %add3A_48 = arith.addf %max3A, %log3A_47 : vector<1280x1xf32>
    %sub3A_49 = arith.subf %add3A_48, %sub3A_36 : vector<1280x1xf32>
    %ne3A = arith.constant 0 : i32
    %ne3A_50 = vector.broadcast %ne3A : i32 to vector<1280x1xi32>
    %ne3A_51 = arith.cmpi ne, %get3A_11, %ne3A_50 : vector<1280x1xi32>
    %get3A_52 = arith.constant 0 : index
    %get3A_53 = arith.constant 0 : index
    %get3A_54 = memref.load %arg9[%get3A_52, %get3A_53] : memref<1x1xf32, #tpu.memory_space<smem>>
    %jit3A_55 = arith.constant 0.000000e+00 : f32
    %broadcast_in_dim3A_56 = vector.broadcast %jit3A_55 : f32 to vector<1280x1xf32>
    %select_n3A_57 = arith.select %ne3A_51, %sub3A_49, %broadcast_in_dim3A_56 : vector<1280x1xi1>, vector<1280x1xf32>
    %reduce_sum3A_58 = vector.shape_cast %select_n3A_57 : vector<1280x1xf32> to vector<1x1280x1xf32>
    %reduce_sum3A_59 = arith.constant dense<0.000000e+00> : vector<1xf32>
    %reduce_sum3A_60 = vector.multi_reduction <add>, %reduce_sum3A_58, %reduce_sum3A_59 [1, 2] : vector<1x1280x1xf32> to vector<1xf32>
    %reduce_sum3A_61 = vector.shape_cast %reduce_sum3A_60 : vector<1xf32> to vector<1x1x1xf32>
    %reduce_sum3A_62 = vector.extract %reduce_sum3A_61[0, 0, 0] : f32 from vector<1x1x1xf32>
    %add3A_63 = arith.addf %get3A_54, %reduce_sum3A_62 : f32
    %swap3A = arith.constant 0 : index
    %swap3A_64 = arith.constant 0 : index
    %swap3A_65 = memref.load %arg9[%swap3A, %swap3A_64] : memref<1x1xf32, #tpu.memory_space<smem>>
    memref.store %add3A_63, %arg9[%swap3A, %swap3A_64] : memref<1x1xf32, #tpu.memory_space<smem>>
    %get3A_66 = arith.constant 0 : index
    %get3A_67 = arith.constant 0 : index
    %get3A_68 = memref.load %arg10[%get3A_66, %get3A_67] : memref<1x1xf32, #tpu.memory_space<smem>>
    %convert_element_type3A_69 = arith.extui %ne3A_51 : vector<1280x1xi1> to vector<1280x1xi32>
    %convert_element_type3A_70 = arith.sitofp %convert_element_type3A_69 : vector<1280x1xi32> to vector<1280x1xf32>
    %reduce_sum3A_71 = vector.shape_cast %convert_element_type3A_70 : vector<1280x1xf32> to vector<1x1280x1xf32>
    %reduce_sum3A_72 = arith.constant dense<0.000000e+00> : vector<1xf32>
    %reduce_sum3A_73 = vector.multi_reduction <add>, %reduce_sum3A_71, %reduce_sum3A_72 [1, 2] : vector<1x1280x1xf32> to vector<1xf32>
    %reduce_sum3A_74 = vector.shape_cast %reduce_sum3A_73 : vector<1xf32> to vector<1x1x1xf32>
    %reduce_sum3A_75 = vector.extract %reduce_sum3A_74[0, 0, 0] : f32 from vector<1x1x1xf32>
    %add3A_76 = arith.addf %get3A_68, %reduce_sum3A_75 : f32
    %swap3A_77 = arith.constant 0 : index
    %swap3A_78 = arith.constant 0 : index
    %swap3A_79 = memref.load %arg10[%swap3A_77, %swap3A_78] : memref<1x1xf32, #tpu.memory_space<smem>>
    memref.store %add3A_76, %arg10[%swap3A_77, %swap3A_78] : memref<1x1xf32, #tpu.memory_space<smem>>
    %eq3A_80 = arith.constant 15 : i32
    %eq3A_81 = arith.cmpi eq, %arg0, %eq3A_80 : i32
    %convert_element_type3A_82 = arith.extui %eq3A_81 : i1 to i32
    %cond3A_83 = arith.constant 0 : i32
    %cond3A_84 = arith.cmpi ne, %convert_element_type3A_82, %cond3A_83 : i32
    scf.if %cond3A_84 {
      %get3A_85 = arith.constant 0 : index
      %get3A_86 = arith.constant 0 : index
      %get3A_87 = memref.load %arg9[%get3A_85, %get3A_86] : memref<1x1xf32, #tpu.memory_space<smem>>
      %get3A_88 = arith.constant 0 : index
      %get3A_89 = arith.constant 0 : index
      %get3A_90 = memref.load %arg10[%get3A_88, %get3A_89] : memref<1x1xf32, #tpu.memory_space<smem>>
      %div3A = arith.divf %get3A_87, %get3A_90 : f32
      %broadcast_in_dim3A_91 = vector.broadcast %div3A : f32 to vector<1x1xf32>
      %swap3A_92 = arith.constant 0 : index
      %swap3A_93 = arith.constant 0 : index
      %swap3A_94 = vector.load %arg8[%swap3A_92, %swap3A_93] : memref<1x1xf32, #tpu.memory_space<vmem>>, vector<1x1xf32>
      tpu.vector_store %arg8[%swap3A_92, %swap3A_93], %broadcast_in_dim3A_91 {strides = array<i32>} : memref<1x1xf32, #tpu.memory_space<vmem>>, vector<1x1xf32>,
    } else {
    }
    return
  }
  func.func @transform_0(%arg0: i32) -> (i32, i32, i32) {
    %c0_i32 = arith.constant 0 : i32
    %c0_i32_0 = arith.constant 0 : i32
    %c0_i32_1 = arith.constant 0 : i32
    return %arg0, %c0_i32, %c0_i32_0 : i32, i32, i32
  }
  func.func @transform_1(%arg0: i32) -> (i32, i32) {
    %c0_i32 = arith.constant 0 : i32
    %c0_i32_0 = arith.constant 0 : i32
    return %arg0, %c0_i32 : i32, i32
  }
  func.func @transform_2(%arg0: i32) -> (i32, i32) {
    %c0_i32 = arith.constant 0 : i32
    %c0_i32_0 = arith.constant 0 : i32
    return %arg0, %c0_i32 : i32, i32
  }
  func.func @transform_3(%arg0: i32) -> (i32, i32) {
    %c0_i32 = arith.constant 0 : i32
    %c0_i32_0 = arith.constant 0 : i32
    return %arg0, %c0_i32 : i32, i32
  }
  func.func @transform_4(%arg0: i32) -> (i32, i32) {
    %c0_i32 = arith.constant 0 : i32
    %c0_i32_0 = arith.constant 0 : i32
    %c0_i32_1 = arith.constant 0 : i32
    return %c0_i32, %c0_i32_0 : i32, i32
  }
  func.func @transform_5(%arg0: i32) -> (i32, i32) {
    %c0_i32 = arith.constant 0 : i32
    %c0_i32_0 = arith.constant 0 : i32
    %c0_i32_1 = arith.constant 0 : i32
    return %c0_i32, %c0_i32_0 : i32, i32
  }
  func.func @transform_6(%arg0: i32) -> (i32, i32) {
    %c0_i32 = arith.constant 0 : i32
    %c0_i32_0 = arith.constant 0 : i32
    %c0_i32_1 = arith.constant 0 : i32
    return %c0_i32, %c0_i32_0 : i32, i32
  }
  func.func @transform_7(%arg0: i32) -> (i32, i32) {
    %c0_i32 = arith.constant 0 : i32
    %c0_i32_0 = arith.constant 0 : i32
    %c0_i32_1 = arith.constant 0 : i32
    return %c0_i32, %c0_i32_0 : i32, i32
  }
}

</mosaic_0001>

<sc_bundles>
// kernel: gather_offload_async_start.1
scs
__scs_entry_jumppad:
0x0: {  	(pc) =	sbr.rel $0x88, $3  }
0x1: {  	(tag) =	ssettag $0x0;
	lr =	simm.s32 $0x1  }
0x2: {  	[smem:$0x3F9D] =	sst lr;
	_ =	strace $0xD0000000  }
0x3: {  	_ = 	snop  }
0x4: {  	_ = 	snop  }
0x5: {  	_ = 	snop  }
0x6: {  	_ = 	snop  }
0x7: {  	_ = 	snop  }
__scs_overlays_trampoline_lowered:
0x8: {  	[smem:$0x3FAC] =	sst s0  }
0x9: {  	[smem:$0x3FAD] =	sst s1  }
0xa: {  	[smem:$0x3FAE] =	sst s2  }
0xb: {  	[smem:$0x3FAF] =	sst s3  }
0xc: {  	[smem:$0x3FB0] =	sst s4  }
0xd: {  	[smem:$0x3FB1] =	sst s5  }
0xe: {  	[smem:$0x3FB2] =	sst s6  }
0xf: {  	[smem:$0x3FB3] =	sst s7  }
0x10: {  	[smem:$0x3FB4] =	sst s8  }
0x11: {  	[smem:$0x3FB5] =	sst s9;
	s0 =	simm.s32 @!p0 $0x0  }
0x12: {  	s1 =	sld [smem:$0x3F9B];
	s0 =	simm.s32 @p0 $0x1  }
0x13: {  	[smem:$0x3FB6] =	sst s0;
	s0 =	simm.s32 @!p1 $0x0  }
0x14: {  	s2 =	sld [smem:$0x3F9A];
	s0 =	simm.s32 @p1 $0x1  }
0x15: {  	[smem:$0x3FB7] =	sst s0;
	s0 =	simm.s32 @!p2 $0x0  }
0x16: {  	s3 =	sld [smem:$0x3FDB];
	s0 =	simm.s32 @p2 $0x1  }
0x17: {  	s4 =	simm.s32 $0x1BF5;
	[smem:$0x3FB9] =	sst s0  }
0x18: {  	s0 =	sld [smem:$0x3F9C];
	_ =	swait.ge [sflag:s4], $0x0  }
0x19: {  	s7 =	sld [smem:$0x3F9D]  }
0x1a: {  	s8 =	sadd.s32 $0xFFFFE003, lr  }
0x1b: {  	s9 =	sadd.s32 $0xFFFFFEF7, lr;
	s5 =	simm.s32 $0xFFFFFFFF;
	p2 =	slt.u32 s8, $0xFFFFF086  }
0x1c: {  	p1 =	slt.u32 s9, $0xF7A;
	s5 =	simm.s32 @!p2 $0x0  }
0x1d: {  	s5 =	simm.s32 @p1 $0x1;
	p0 =	seq.s32 s7, s2  }
0x1e: {  	s7 =	smul.u32 @!p0 $0xF7A, s2;
	p2 =	seq.s32 @!p0 s5, $0x0  }
0x1f: {  	s9 =	smul.u32 $0xF7A, s1;
	s8 =	simm.s32 @!p0 $0x1BF5;
	p2 =	por !p2, p0  }
0x20: {  	[sflag:s8] =	ssyncset.s32 @!p0 $0xFFFFF086;
	s6 =	sadd.s32 @!p0 s3, s7;
	s7 =	simm.s32 @!p0 $0x108  }
0x21: {  	s3 =	sadd.s32 s3, s9;
	s6 =	sadd.s32 @!p0 $0x88, s6;
	s7 =	simm.s32 @p2 $0x1082  }
0x22: {  	[simem:s7], [sflag:s8] =	dma.local @!p0 [hbm:s6], $0xF7A  }
0x23: {  	s9 =	sor.u32 $0xD0000000, s2;
	s6 =	simm.s32 $0x108;
	_ =	swait.ge @!p0 [sflag:s8], $0x0  }
0x24: {  	s3 =	sadd.s32 $0x88, s3;
	s6 =	simm.s32 @!p1 $0x1082;
	[sflag:s4] =	ssyncset.s32 $0xFFFFF086  }
0x25: {  	[simem:s6], [sflag:s4] =	dma.local [hbm:s3], $0xF7A  }
0x26: {  	[smem:$0x3F9D] =	sst s1;
	(tag) =	ssettag s2;
	_ =	strace s9  }
0x27: {  	s1 =	sld [smem:$0x3FAD]  }
0x28: {  	s2 =	sld [smem:$0x3FAE]  }
0x29: {  	s4 =	sld [smem:$0x3FB0]  }
0x2a: {  	p0 =	seq.s32 s5, $0x0;
	s5 =	sld [smem:$0x3FB1]  }
0x2b: {  	s6 =	sld [smem:$0x3FB2]  }
0x2c: {  	s7 =	sld [smem:$0x3FB3]  }
0x2d: {  	s3 =	simm.s32 $0x108;
	s8 =	sld [smem:$0x3FB4]  }
0x2e: {  	s3 =	simm.s32 @!p0 $0x1082;
	s9 =	sld [smem:$0x3FB5]  }
0x2f: {  	lr =	sadd.s32 s0, s3;
	s0 =	sld [smem:$0x3FAC]  }
0x30: {  	s3 =	sld [smem:$0x3FAF]  }
0x31: {  	[smem:$0x3FB8] =	sst s10  }
0x32: {  	s10 =	sld [smem:$0x3FB6];
	_ =	sdelay $0x3  }
0x33: {  	p0 =	seq.s32 s10, $0x1;
	s10 =	sld [smem:$0x3FB8];
	_ =	sdelay $0x3  }
0x34: {  	[smem:$0x3FB8] =	sst s10  }
0x35: {  	s10 =	sld [smem:$0x3FB7];
	_ =	sdelay $0x3  }
0x36: {  	p1 =	seq.s32 s10, $0x1;
	s10 =	sld [smem:$0x3FB8];
	_ =	sdelay $0x3  }
0x37: {  	[smem:$0x3FB8] =	sst s10  }
0x38: {  	s10 =	sld [smem:$0x3FB9]  }
0x39: {  	_ = 	snop;
	(pc) =	sbr.ind lr, $3  }
0x3a: {  	_ = 	snop  }
0x3b: {  	_ = 	snop  }
0x3c: {  	p2 =	seq.s32 s10, $0x1;
	s10 =	sld [smem:$0x3FB8]  }
0x3d: {  	_ =	shalt  }
0x3e: {  	_ =	shalt  }
0x3f: {  	_ =	shalt  }
0x40: {  	_ =	shalt  }
0x41: {  	_ =	shalt  }
0x42: {  	_ =	shalt  }
0x43: {  	_ =	shalt  }
0x44: {  	_ =	shalt  }
0x45: {  	_ =	shalt  }
0x46: {  	_ =	shalt  }
0x47: {  	_ =	shalt  }
0x48: {  	_ =	shalt  }
0x49: {  	_ =	shalt  }
0x4a: {  	_ =	shalt  }
0x4b: {  	_ =	shalt  }
0x4c: {  	_ =	shalt  }
0x4d: {  	_ =	shalt  }
0x4e: {  	_ =	shalt  }
0x4f: {  	_ =	shalt  }
0x50: {  	_ =	shalt  }
0x51: {  	_ =	shalt  }
0x52: {  	_ =	shalt  }
0x53: {  	_ =	shalt  }
0x54: {  	_ =	shalt  }
0x55: {  	_ =	shalt  }
0x56: {  	_ =	shalt  }
0x57: {  	_ =	shalt  }
0x58: {  	_ =	shalt  }
0x59: {  	_ =	shalt  }
0x5a: {  	_ =	shalt  }
0x5b: {  	_ =	shalt  }
0x5c: {  	_ =	shalt  }
0x5d: {  	_ =	shalt  }
0x5e: {  	_ =	shalt  }
0x5f: {  	_ =	shalt  }
0x60: {  	_ =	shalt  }
0x61: {  	_ =	shalt  }
0x62: {  	_ =	shalt  }
0x63: {  	_ =	shalt  }
0x64: {  	_ =	shalt  }
0x65: {  	_ =	shalt  }
0x66: {  	_ =	shalt  }
0x67: {  	_ =	shalt  }
0x68: {  	_ =	shalt  }
0x69: {  	_ =	shalt  }
0x6a: {  	_ =	shalt  }
0x6b: {  	_ =	shalt  }
0x6c: {  	_ =	shalt  }
0x6d: {  	_ =	shalt  }
0x6e: {  	_ =	shalt  }
0x6f: {  	_ =	shalt  }
0x70: {  	_ =	shalt  }
0x71: {  	_ =	shalt  }
0x72: {  	_ =	shalt  }
0x73: {  	_ =	shalt  }
0x74: {  	_ =	shalt  }
0x75: {  	_ =	shalt  }
0x76: {  	_ =	shalt  }
0x77: {  	_ =	shalt  }
0x78: {  	_ =	shalt  }
0x79: {  	_ =	shalt  }
0x7a: {  	_ =	shalt  }
0x7b: {  	_ =	shalt  }
0x7c: {  	_ =	shalt  }
0x7d: {  	_ =	shalt  }
0x7e: {  	_ =	shalt  }
0x7f: {  	_ =	shalt  }
0x80: {  	_ =	shalt  }
0x81: {  	_ =	shalt  }
0x82: {  	_ =	shalt  }
0x83: {  	_ =	shalt  }
0x84: {  	_ =	shalt  }
0x85: {  	_ =	shalt  }
0x86: {  	_ =	shalt  }
0x87: {  	_ =	shalt  }
.Lfunc_end0:
.L_simem_size_0:
called_computation.1_lowered:
.L_overlay_start_0:
0x88: {  	s2 =	sld [smem:$0x3FD9]  }
0x89: {  	s3 =	sld [smem:$0x3FFE];
	_ =	sdelay $0x1  }
0x8a: {  	s1 =	srdreg.scid  }
0x8b: {  	s0 =	sand.u32 $0x1, s1  }
0x8c: {  	s17 =	sshll.u32 s0, $0xA;
	s2 =	sadd.s32 s3, s2  }
0x8d: {  	s2 =	sadd.s32 s2, s17  }
0x8e: {  	[smem:$0x3FC4] =	sst s2  }
0x8f: {  	_ = 	snop  }
0x90: {  	s18 =	sld [smem:$0x3FC6];
	(tm) =	ssettm $0x1  }
0x91: {  	s19 =	sld [smem:$0x3FFB];
	_ =	sdelay $0x3  }
0x92: {  	_ =	strace s19  }
0x93: {  	s2 =	sld [smem:$0x3FFC];
	_ =	sdelay $0x3  }
0x94: {  	_ =	strace s2  }
0x95: {  	s2 =	sld [smem:$0x3FFD];
	_ =	sdelay $0x3  }
0x96: {  	_ =	strace s2  }
0x97: {  	_ =	strace $0x8FFFFFFF  }
0x98: {  	s20 =	sld [smem:$0x3FDB];
	_ =	sdelay $0x1  }
0x99: {  	s4 =	simm.s32 $_scs_section_size  }
0x9a: {  	s5 =	simm.s32 $_size__tile_overlayer_lowered;
	s6 =	simm.s32 $_tile_overlayer_lowered  }
0x9b: {  	s7 =	simm.s32 $0x1BFF;
	s21 =	sshll.u32 s6, $0x1;
	s4 =	sadd.s32 s4, s20  }
0x9c: {  	s22 =	simm.s32 $0x0;
	s5 =	sshll.u32 s5, $0x1;
	s6 =	sadd.s32 s21, s4  }
0x9d: {  	[timem:s22], [sflag:s7] =	dma.local [hbm:s6], s5  }
0x9e: {  	_ =	swait.ge [sflag:s7], s5  }
0x9f: {  	s5 =	ssub.s32 $0x0, s5;
	[sflag:s7] =	ssyncset.done $0x0  }
0xa0: {  	[sflag:s7] =	ssyncadd.s32 s5;
	_ =	sdelay $0x1  }
0xa1: {  	s23 =	simm.s32 $0x1B8B  }
0xa2: {  	_ =	swait.ge [sflag:s23], $0x1  }
0xa3: {  	[sflag:s23] =	ssyncset.done $0x0  }
0xa4: {  	[sflag:s23] =	ssyncadd.s32 $0xFFFFFFFF  }
0xa5: {  	s5 =	sld [smem:$0x0]  }
0xa6: {  	s6 =	sand.u32 $0xFFFFFFFE, s1  }
0xa7: {  	p0 =	sne.s32 s1, s6  }
0xa8: {  	s6 =	sshll.u32 @p0 s6, $0xE  }
0xa9: {  	s6 =	sadd.s32 @p0 $0x11B8D, s6;
	s7 =	sshll.u32 @p0 s5, $0x11  }
0xaa: {  	s6 =	sor.u32 @p0 s7, s6  }
0xab: {  	[sflag:s6] =	ssyncadd.remote.s32 @p0 $0x1;
	_ =	sdelay $0x1  }
0xac: {  	s6 =	simm.s32 @p0 $0x1B8D  }
0xad: {  	_ =	swait.eq @p0 [sflag:s6], $0x1  }
0xae: {  	[sflag:s6] =	ssyncadd.s32 @p0 $0xFFFFFFFF  }
0xaf: {  	s7 =	sshll.u32 @!p0 s1, $0xE  }
0xb0: {  	s7 =	sor.u32 @!p0 $0x4000, s7;
	s6 =	simm.s32 @!p0 $0x1B8D  }
0xb1: {  	s5 =	sshll.u32 @!p0 s5, $0x11;
	s7 =	sadd.s32 @!p0 $0x11B8D, s7;
	_ =	swait.eq @!p0 [sflag:s6], $0x1  }
0xb2: {  	s5 =	sor.u32 @!p0 s5, s7;
	[sflag:s6] =	ssyncadd.s32 @!p0 $0xFFFFFFFF  }
0xb3: {  	s25 =	simm.s32 $0x1B8E;
	s24 =	sld [smem:$0x3FFE];
	[sflag:s5] =	ssyncadd.remote.s32 @!p0 $0x1  }
0xb4: {  	s26 =	simm.s32 $execute0_lowered;
	[smem:$0x3FD2] =	sst s25  }
0xb5: {  	s6 =	sshll.u32 s26, $0x1;
	_ =	strace $0x80000049;
	[dreg:$0x1] =	wrdreg $0xFFFFFFFF  }
0xb6: {  	s28 =	simm.s32 $_size_execute0_lowered;
	s4 =	sadd.s32 s4, s6;
	[dreg:$0x0] =	wrdreg $0x0  }
0xb7: {  	s6 =	sshll.u32 s28, $0x1;
	[dreg:$0x2] =	wrdreg s4  }
0xb8: {  	[dreg:$0x3] =	wrdreg s6  }
0xb9: {  	[dreg:$0x4] =	wrdreg $0xC0  }
0xba: {  	_ =	task [dreg:s22], $0x5FFFF  }
0xbb: {  	[dreg:$0x1] =	wrdreg $0xFFFFFFFF  }
0xbc: {  	[dreg:$0x0] =	wrdreg $0x60  }
0xbd: {  	[dreg:$0x2] =	wrdreg s18  }
0xbe: {  	[dreg:$0x3] =	wrdreg s24  }
0xbf: {  	[dreg:$0x4] =	wrdreg $0xA  }
0xc0: {  	_ =	task.clear_ibuf [dreg:s22], $0x5FFFF;
	_ =	strace $0x90000049  }
0xc1: {  	s29 =	simm.s32 $0xA;
	_ =	strace $0x8000004B  }
0xc2: {  	_ =	swait.ge [sflag:s29], $0x1  }
0xc3: {  	[sflag:s29] =	ssyncadd.s32 $0xFFFFFFFF  }
0xc4: {  	_ =	strace $0x9000004B  }
0xc5: {  	_ =	sfence  }
0xc6: {  	s30 =	sld [smem:$0x0];
	_ =	sdelay $0x2  }
0xc7: {  	s31 =	sshll.u32 s1, $0xD;
	s1 =	sshrl.u32 s1, $0x2  }
0xc8: {  	s4 =	sand.u32 $0x4000, s31;
	s1 =	sadd.s32 s1, s30  }
0xc9: {  	s0 =	sor.u32 s4, s0;
	s1 =	sshll.u32 s1, $0x11  }
0xca: {  	s0 =	sor.u32 s1, s0  }
0xcb: {  	s0 =	sadd.s32 $0x8F2B, s0  }
0xcc: {  	[sflag:s0] =	ssyncadd.remote.s32 $0x1  }
0xcd: {  	_ =	sfence.sel $0xFFFF  }
0xce: {  	[dreg:$0x0] =	wrdreg $0xFFFFFFFF;
	(pc) =	sbr.abs _section_cstart, $3  }
0xcf: {  	[dreg:$0x1] =	wrdreg $0xFFFFFFFF  }
0xd0: {  	_ =	task.clear_ibuf [dreg:s22], $0x2FFFF;
	_ =	strace $0x9FFFFFFF  }
0xd1: {  	(tm) =	ssettm $0x7FFFFFFF  }
tec
execute0_lowered:
.L_overlay_start_1:
0x0: {  	(tag) =	ssettag $0x1  }
0x1: {  	s1 =	srdreg.scid;
	s2 =	rddreg [dreg:$0x0]  }
0x2: {  	s0 =	stileid.u32;
	s5 =	rddreg [dreg:$0x1];
	s6 =	simm.s32 $0x1  }
0x3: {  	s9 =	simm.s32 $0x1;
	s10 =	simm.s32 $0x3;
	s1 =	sshll.u32 s1, $0x9  }
0x4: {  	s13 =	simm.s32 $0x0;
	s3 =	sshll.u32 s0, $0xA;
	s4 =	sand.u32 $0x200, s1  }
0x5: {  	s12 =	simm.s32 $0x0;
	s1 =	rddreg [dreg:$0x2];
	s3 =	sor.u32 s3, s4  }
0x6: {  	_ =	strace $0x8000004A;
	s4 =	sadd.s32 $0x43800, s5;
	s8 =	ssub.s32 $0x5000, s3  }
.Ltmp0:
0x7: {  	s5 =	sadd.s32 $0x44200, s5;
	s7 =	sand.u32 $0x3E00, s8;
	(pc) =	sbr.rel .LBB2_1-.Ltmp0, $4  }
0x8: {  	[sflag:s6] =	ssyncpa.u1 $0x0;
	s11 =	smov.u32 s3;
	p0 =	sne.s32 s7, $0x0  }
0x9: {  	s8 =	sshrl.u32 s8, $0xE;
	s7 =	simm.s32 $0x2;
	s9 =	simm.s32 @!p0 $0x0  }
0xa: {  	[sflag:s7] =	ssyncpa.u1 $0x0;
	p0 =	por $0x0, $0x0;
	s8 =	sadd.s32 s9, s8  }
0xb: {  	vm0 =	vmmov $0xffff;
	[sflag:s10] =	ssyncpa.u1 $0x0;
	s10 =	simm.s32 $0x0;
	s9 =	sadd.s32 $0x1, s8  }
.LBB2_4:
0xc: {  	v2 =	vnsel vm1, $0x0, v2  }
0xd: {  	vm1 =	vgt.s32 v0, $0x0;
	v2 =	vmin.u32 v2, $0xF423F  }
0xe: {  	v0 =	vnsel vm1, $0x0, v0  }
0xf: {  	v0 =	vmin.u32 v0, $0xF423F  }
0x10: {  	[tilespmem:s15], [sflag:$0x1] =	stream.indirect_vreg.gather [hbm4b:s2+s10], $0x1, v1, vm0, $0x4038;
	[tilespmem:$0x800] =	vst v63  }
0x11: {  	(ifvalue) =	ssetifvalue $0x7FFFFFFF  }
0x12: {  	[tilespmem:s16], [sflag:$0x1] =	stream.indirect_vreg.gather [hbm4b:s2+s10], $0x1, v2, vm0, $0x4038;
	[tilespmem:$0x800] =	vst v63  }
0x13: {  	s29 =	sadd.s32 $0x10, s16;
	(ifvalue) =	ssetifvalue $0x7FFFFFFF  }
0x14: {  	[tilespmem:s29], [sflag:$0x1] =	stream.indirect_vreg.gather [hbm4b:s2+s10], $0x1, v0, vm0, $0x4038;
	[tilespmem:$0x800] =	vst v63  }
0x15: {  	_ =	swait.ge [sflag:s6], $0x200  }
0x16: {  	s30 =	sshrl.u32 s13, $0x3;
	[sflag:s6] =	ssyncset.done $0x0  }
0x17: {  	s31 =	sand.u32 $0x7, s13;
	s15 =	sadd.s32 s5, s30;
	[sflag:s6] =	ssyncadd.s32 $0xFFFFFE00  }
0x18: {  	[hbm4b:s15+s31] =	stream.linear.scatter [tilespmem:s14], [sflag:$0x3], $0x200, $0x38;
	[tilespmem:$0x800] =	vst v63  }
.LBB2_5:
0x19: {  	s15 =	sadd.s32 $0x4000, s11  }
0x1a: {  	p2 =	sgt.s32 s15, $0x4FFF  }
0x1b: {  	s15 =	smov.u32 @p2 s3;
	p2 =	sne.s32 s12, s9  }
.Ltmp1:
0x1c: {  	p1 =	slt.u32 s12, $0x2;
	(pc) =	sbr.rel @!p2 .LBB2_6-.Ltmp1, $4  }
0x1d: {  	s14 =	simm.s32 @!p1 $0x3  }
0x1e: {  	s16 =	sadd.s32 $0x1, s12;
	_ =	swait.ge @!p1 [sflag:s14], $0x200  }
0x1f: {  	s13 =	smov.u32 s11;
	p0 =	por !p0, !p0;
	[sflag:s14] =	ssyncset.done @!p1 $0x0  }
0x20: {  	s12 =	smov.u32 s16;
	s11 =	smov.u32 s15;
	[sflag:s14] =	ssyncadd.s32 @!p1 $0xFFFFFE00  }
.LBB2_1:
0x21: {  	p1 =	sge.u32 s12, s8  }
0x22: {  	s14 =	sxor.u32 @!p1 $0xFFFFFFFF, s12  }
0x23: {  	s31 =	sadd.s32 $0xFFFFFFFF, s12;
	s15 =	sshrl.u32 @!p1 s11, $0x3;
	s14 =	sshll.u32 @!p1 s14, $0x9  }
0x24: {  	s16 =	sand.u32 @!p1 $0x7, s11;
	s15 =	sadd.s32 @!p1 s4, s15;
	s14 =	sand.u32 @!p1 $0x200, s14  }
0x25: {  	[tilespmem:s14], [sflag:$0x2] =	stream.linear.gather @!p1 [hbm4b:s15+s16], $0x200, $0x38;
	[tilespmem:$0x800] =	vst v63  }
0x26: {  	p1 =	sge.u32 s31, s8  }
.Ltmp2:
0x27: {  	_ = 	snop;
	(pc) =	sbr.rel @p1 .LBB2_5-.Ltmp2, $1  }
0x28: {  	_ =	sdelay $0x3  }
0x29: {  	s14 =	simm.s32 $0x1  }
0x2a: {  	_ =	swait.ge [sflag:s7], $0x200;
	s14 =	simm.s32 @!p0 $0x0  }
0x2b: {  	[sflag:s7] =	ssyncset.done $0x0;
	s14 =	sshll.u32 s14, $0x9  }
0x2c: {  	[sflag:s7] =	ssyncadd.s32 $0xFFFFFE00;
	(ifvalue) =	ssetifvalue $0x7FFFFFFF;
	v0 =	vld.msk [tilespmem:s14+$0x0 ss:$0x1], $0xffff;
	_ =	sdelay $0x4  }
0x2d: {  	s15 =	sadd.s32 $0x10, s14;
	vm1 =	vgt.s32 v0, $0x0  }
0x2e: {  	v2 =	vld.msk [tilespmem:s15+$0x0 ss:$0x1], $0xffff;
	v1 =	vnsel vm1, $0x0, v0  }
0x2f: {  	v1 =	vmin.u32 v1, $0xF423F;
	_ =	sdelay $0x1  }
0x30: {  	s16 =	sshll.u32 s12, $0x9;
	s18 =	simm.s32 $0x20  }
0x31: {  	s16 =	sand.u32 $0x200, s16;
	s17 =	sadd.s32 $0x10, s15;
	s15 =	sor.u32 $0x400, s14  }
0x32: {  	s14 =	sor.u32 $0x400, s16;
	s16 =	sadd.s32 $0x10, s15;
	v0 =	vld.msk [tilespmem:s17+$0x0 ss:$0x1], $0xffff;
	vm1 =	vgt.s32 v2, $0x0;
	(ifvalue) =	ssetifvalue $0x7FFFFFFF  }
.LBB2_3:
0x33: {  	[tilespmem:s15], [sflag:$0x1] =	stream.indirect_vreg.gather [hbm4b:s2+s10], $0x1, v1, vm0, $0x4038;
	[tilespmem:$0x800] =	vst v63  }
0x34: {  	s18 =	sadd.s32 $0x10, s18  }
0x35: {  	v2 =	vnsel vm1, $0x0, v2;
	p1 =	slt.u32 s18, $0x1F0  }
.Ltmp3:
0x36: {  	s15 =	smov.u32 s16;
	v1 =	vmin.u32 v2, $0xF423F;
	(pc) =	sbr.rel @p1 .LBB2_3-.Ltmp3, $3  }
0x37: {  	_ =	sdelay $0x1  }
0x38: {  	s17 =	sadd.s32 $0x10, s17  }
0x39: {  	vm1 =	vgt.s32 v0, $0x0;
	s16 =	sadd.s32 $0x10, s16;
	v2 =	vmov v0;
	(ifvalue) =	ssetifvalue $0x7FFFFFFF;
	v0 =	vld.msk [tilespmem:s17+$0x0 ss:$0x1], $0xffff  }
.Ltmp4:
0x3a: {  	_ = 	snop;
	(pc) =	sbr.rel .LBB2_4-.Ltmp4, $1  }
0x3b: {  	_ =	sdelay $0x3  }
.LBB2_6:
0x3c: {  	_ =	sfence.sel $0x180000  }
0x3d: {  	s2 =	simm.s32 $0x2;
	[bflag:$0x0] =	sbarrier.arrive $0xFFFF  }
0x3e: {  	s30 =	simm.s32 $0x3;
	[sflag:s2] =	ssyncpa.u1 $0x1  }
0x3f: {  	s31 =	simm.s32 $0x1;
	[sflag:s30] =	ssyncpa.u1 $0x1  }
0x40: {  	[sflag:s31] =	ssyncpa.u1 $0x1  }
0x41: {  	p0 =	sne.s32 s0, $0x0;
	_ =	strace $0x9000004A  }
0x42: {  	s0 =	sadd.s32 @!p0 $0x100000, s1;
	[bflag:$0x2] =	sbarrier.arrive $0xFFFF  }
0x43: {  	[sflag:s0] =	ssyncadd.tile.s32 @!p0 $0x1;
	_ =	shalt  }
.Lfunc_end2:
_tile_overlayer_lowered:
.L_overlay_start_2:
0x44: {  	(tag) =	ssettag $0x2  }
0x45: {  	s0 =	rddreg [dreg:$0x0];
	s2 =	stileid.u32  }
0x46: {  	s1 =	rddreg [dreg:$0x1];
	p0 =	sne.s32 s2, $0x0  }
0x47: {  	s3 =	rddreg [dreg:$0x2];
	[bflag:$0x3] =	sbarrier.arrive $0xFFFF;
	s2 =	simm.s32 @!p0 $0x1C01  }
0x48: {  	[timem:s3], [sflag:s2] =	dma.local @!p0 [hbm:s0], s1  }
0x49: {  	s0 =	simm.s32 @!p0 $0x1  }
0x4a: {  	_ =	swait.ge @!p0 [sflag:s0], s1  }
0x4b: {  	s1 =	ssub.s32 @!p0 $0x0, s1;
	[sflag:s0] =	ssyncset.done @!p0 $0x0  }
0x4c: {  	[sflag:s0] =	ssyncadd.s32 @!p0 s1  }
0x4d: {  	[bflag:$0x3] =	sbarrier.arrive $0xFFFF  }
0x4e: {  	_ =	shalt  }

// kernel: gather_offload_async_start.2
scs
__scs_entry_jumppad:
0x0: {  	(pc) =	sbr.rel $0x88, $3  }
0x1: {  	(tag) =	ssettag $0x0;
	lr =	simm.s32 $0x1  }
0x2: {  	[smem:$0x3F9D] =	sst lr;
	_ =	strace $0xD0000000  }
0x3: {  	_ = 	snop  }
0x4: {  	_ = 	snop  }
0x5: {  	_ = 	snop  }
0x6: {  	_ = 	snop  }
0x7: {  	_ = 	snop  }
__scs_overlays_trampoline_lowered:
0x8: {  	[smem:$0x3FAC] =	sst s0  }
0x9: {  	[smem:$0x3FAD] =	sst s1  }
0xa: {  	[smem:$0x3FAE] =	sst s2  }
0xb: {  	[smem:$0x3FAF] =	sst s3  }
0xc: {  	[smem:$0x3FB0] =	sst s4  }
0xd: {  	[smem:$0x3FB1] =	sst s5  }
0xe: {  	[smem:$0x3FB2] =	sst s6  }
0xf: {  	[smem:$0x3FB3] =	sst s7  }
0x10: {  	[smem:$0x3FB4] =	sst s8  }
0x11: {  	[smem:$0x3FB5] =	sst s9;
	s0 =	simm.s32 @!p0 $0x0  }
0x12: {  	s1 =	sld [smem:$0x3F9B];
	s0 =	simm.s32 @p0 $0x1  }
0x13: {  	[smem:$0x3FB6] =	sst s0;
	s0 =	simm.s32 @!p1 $0x0  }
0x14: {  	s2 =	sld [smem:$0x3F9A];
	s0 =	simm.s32 @p1 $0x1  }
0x15: {  	[smem:$0x3FB7] =	sst s0;
	s0 =	simm.s32 @!p2 $0x0  }
0x16: {  	s3 =	sld [smem:$0x3FDB];
	s0 =	simm.s32 @p2 $0x1  }
0x17: {  	s4 =	simm.s32 $0x1BF5;
	[smem:$0x3FB9] =	sst s0  }
0x18: {  	s0 =	sld [smem:$0x3F9C];
	_ =	swait.ge [sflag:s4], $0x0  }
0x19: {  	s7 =	sld [smem:$0x3F9D]  }
0x1a: {  	s8 =	sadd.s32 $0xFFFFE003, lr  }
0x1b: {  	s9 =	sadd.s32 $0xFFFFFEF7, lr;
	s5 =	simm.s32 $0xFFFFFFFF;
	p2 =	slt.u32 s8, $0xFFFFF086  }
0x1c: {  	p1 =	slt.u32 s9, $0xF7A;
	s5 =	simm.s32 @!p2 $0x0  }
0x1d: {  	s5 =	simm.s32 @p1 $0x1;
	p0 =	seq.s32 s7, s2  }
0x1e: {  	s7 =	smul.u32 @!p0 $0xF7A, s2;
	p2 =	seq.s32 @!p0 s5, $0x0  }
0x1f: {  	s9 =	smul.u32 $0xF7A, s1;
	s8 =	simm.s32 @!p0 $0x1BF5;
	p2 =	por !p2, p0  }
0x20: {  	[sflag:s8] =	ssyncset.s32 @!p0 $0xFFFFF086;
	s6 =	sadd.s32 @!p0 s3, s7;
	s7 =	simm.s32 @!p0 $0x108  }
0x21: {  	s3 =	sadd.s32 s3, s9;
	s6 =	sadd.s32 @!p0 $0x88, s6;
	s7 =	simm.s32 @p2 $0x1082  }
0x22: {  	[simem:s7], [sflag:s8] =	dma.local @!p0 [hbm:s6], $0xF7A  }
0x23: {  	s9 =	sor.u32 $0xD0000000, s2;
	s6 =	simm.s32 $0x108;
	_ =	swait.ge @!p0 [sflag:s8], $0x0  }
0x24: {  	s3 =	sadd.s32 $0x88, s3;
	s6 =	simm.s32 @!p1 $0x1082;
	[sflag:s4] =	ssyncset.s32 $0xFFFFF086  }
0x25: {  	[simem:s6], [sflag:s4] =	dma.local [hbm:s3], $0xF7A  }
0x26: {  	[smem:$0x3F9D] =	sst s1;
	(tag) =	ssettag s2;
	_ =	strace s9  }
0x27: {  	s1 =	sld [smem:$0x3FAD]  }
0x28: {  	s2 =	sld [smem:$0x3FAE]  }
0x29: {  	s4 =	sld [smem:$0x3FB0]  }
0x2a: {  	p0 =	seq.s32 s5, $0x0;
	s5 =	sld [smem:$0x3FB1]  }
0x2b: {  	s6 =	sld [smem:$0x3FB2]  }
0x2c: {  	s7 =	sld [smem:$0x3FB3]  }
0x2d: {  	s3 =	simm.s32 $0x108;
	s8 =	sld [smem:$0x3FB4]  }
0x2e: {  	s3 =	simm.s32 @!p0 $0x1082;
	s9 =	sld [smem:$0x3FB5]  }
0x2f: {  	lr =	sadd.s32 s0, s3;
	s0 =	sld [smem:$0x3FAC]  }
0x30: {  	s3 =	sld [smem:$0x3FAF]  }
0x31: {  	[smem:$0x3FB8] =	sst s10  }
0x32: {  	s10 =	sld [smem:$0x3FB6];
	_ =	sdelay $0x3  }
0x33: {  	p0 =	seq.s32 s10, $0x1;
	s10 =	sld [smem:$0x3FB8];
	_ =	sdelay $0x3  }
0x34: {  	[smem:$0x3FB8] =	sst s10  }
0x35: {  	s10 =	sld [smem:$0x3FB7];
	_ =	sdelay $0x3  }
0x36: {  	p1 =	seq.s32 s10, $0x1;
	s10 =	sld [smem:$0x3FB8];
	_ =	sdelay $0x3  }
0x37: {  	[smem:$0x3FB8] =	sst s10  }
0x38: {  	s10 =	sld [smem:$0x3FB9]  }
0x39: {  	_ = 	snop;
	(pc) =	sbr.ind lr, $3  }
0x3a: {  	_ = 	snop  }
0x3b: {  	_ = 	snop  }
0x3c: {  	p2 =	seq.s32 s10, $0x1;
	s10 =	sld [smem:$0x3FB8]  }
0x3d: {  	_ =	shalt  }
0x3e: {  	_ =	shalt  }
0x3f: {  	_ =	shalt  }
0x40: {  	_ =	shalt  }
0x41: {  	_ =	shalt  }
0x42: {  	_ =	shalt  }
0x43: {  	_ =	shalt  }
0x44: {  	_ =	shalt  }
0x45: {  	_ =	shalt  }
0x46: {  	_ =	shalt  }
0x47: {  	_ =	shalt  }
0x48: {  	_ =	shalt  }
0x49: {  	_ =	shalt  }
0x4a: {  	_ =	shalt  }
0x4b: {  	_ =	shalt  }
0x4c: {  	_ =	shalt  }
0x4d: {  	_ =	shalt  }
0x4e: {  	_ =	shalt  }
0x4f: {  	_ =	shalt  }
0x50: {  	_ =	shalt  }
0x51: {  	_ =	shalt  }
0x52: {  	_ =	shalt  }
0x53: {  	_ =	shalt  }
0x54: {  	_ =	shalt  }
0x55: {  	_ =	shalt  }
0x56: {  	_ =	shalt  }
0x57: {  	_ =	shalt  }
0x58: {  	_ =	shalt  }
0x59: {  	_ =	shalt  }
0x5a: {  	_ =	shalt  }
0x5b: {  	_ =	shalt  }
0x5c: {  	_ =	shalt  }
0x5d: {  	_ =	shalt  }
0x5e: {  	_ =	shalt  }
0x5f: {  	_ =	shalt  }
0x60: {  	_ =	shalt  }
0x61: {  	_ =	shalt  }
0x62: {  	_ =	shalt  }
0x63: {  	_ =	shalt  }
0x64: {  	_ =	shalt  }
0x65: {  	_ =	shalt  }
0x66: {  	_ =	shalt  }
0x67: {  	_ =	shalt  }
0x68: {  	_ =	shalt  }
0x69: {  	_ =	shalt  }
0x6a: {  	_ =	shalt  }
0x6b: {  	_ =	shalt  }
0x6c: {  	_ =	shalt  }
0x6d: {  	_ =	shalt  }
0x6e: {  	_ =	shalt  }
0x6f: {  	_ =	shalt  }
0x70: {  	_ =	shalt  }
0x71: {  	_ =	shalt  }
0x72: {  	_ =	shalt  }
0x73: {  	_ =	shalt  }
0x74: {  	_ =	shalt  }
0x75: {  	_ =	shalt  }
0x76: {  	_ =	shalt  }
0x77: {  	_ =	shalt  }
0x78: {  	_ =	shalt  }
0x79: {  	_ =	shalt  }
0x7a: {  	_ =	shalt  }
0x7b: {  	_ =	shalt  }
0x7c: {  	_ =	shalt  }
0x7d: {  	_ =	shalt  }
0x7e: {  	_ =	shalt  }
0x7f: {  	_ =	shalt  }
0x80: {  	_ =	shalt  }
0x81: {  	_ =	shalt  }
0x82: {  	_ =	shalt  }
0x83: {  	_ =	shalt  }
0x84: {  	_ =	shalt  }
0x85: {  	_ =	shalt  }
0x86: {  	_ =	shalt  }
0x87: {  	_ =	shalt  }
.Lfunc_end0:
.L_simem_size_0:
called_computation.2_lowered:
.L_overlay_start_0:
0x88: {  	s2 =	sld [smem:$0x3FD9]  }
0x89: {  	s3 =	sld [smem:$0x3FFE];
	_ =	sdelay $0x1  }
0x8a: {  	s1 =	srdreg.scid  }
0x8b: {  	s0 =	sand.u32 $0x1, s1  }
0x8c: {  	s17 =	sshll.u32 s0, $0xA;
	s2 =	sadd.s32 s3, s2  }
0x8d: {  	s2 =	sadd.s32 s2, s17  }
0x8e: {  	[smem:$0x3FC4] =	sst s2  }
0x8f: {  	_ = 	snop  }
0x90: {  	(tm) =	ssettm $0x1  }
0x91: {  	s18 =	sld [smem:$0x3FFB];
	_ =	sdelay $0x3  }
0x92: {  	_ =	strace s18  }
0x93: {  	s2 =	sld [smem:$0x3FFC];
	_ =	sdelay $0x3  }
0x94: {  	_ =	strace s2  }
0x95: {  	s2 =	sld [smem:$0x3FFD];
	_ =	sdelay $0x3  }
0x96: {  	_ =	strace s2  }
0x97: {  	_ =	strace $0x8FFFFFFF  }
0x98: {  	s19 =	sld [smem:$0x3FDB];
	_ =	sdelay $0x1  }
0x99: {  	s20 =	simm.s32 $_scs_section_size  }
0x9a: {  	s4 =	simm.s32 $_size__tile_overlayer_lowered;
	s5 =	simm.s32 $_tile_overlayer_lowered  }
0x9b: {  	s6 =	simm.s32 $0x1BFF;
	s21 =	sshll.u32 s5, $0x1;
	s3 =	sadd.s32 s20, s19  }
0x9c: {  	s22 =	simm.s32 $0x0;
	s4 =	sshll.u32 s4, $0x1;
	s5 =	sadd.s32 s21, s3  }
0x9d: {  	[timem:s22], [sflag:s6] =	dma.local [hbm:s5], s4  }
0x9e: {  	_ =	swait.ge [sflag:s6], s4  }
0x9f: {  	s4 =	ssub.s32 $0x0, s4;
	[sflag:s6] =	ssyncset.done $0x0  }
0xa0: {  	[sflag:s6] =	ssyncadd.s32 s4;
	_ =	sdelay $0x1  }
0xa1: {  	s23 =	simm.s32 $0x1B8B  }
0xa2: {  	_ =	swait.ge [sflag:s23], $0x1  }
0xa3: {  	[sflag:s23] =	ssyncset.done $0x0  }
0xa4: {  	[sflag:s23] =	ssyncadd.s32 $0xFFFFFFFF  }
0xa5: {  	s4 =	sld [smem:$0x0]  }
0xa6: {  	s5 =	sand.u32 $0xFFFFFFFE, s1  }
0xa7: {  	p0 =	sne.s32 s1, s5  }
0xa8: {  	s5 =	sshll.u32 @p0 s5, $0xE  }
0xa9: {  	s5 =	sadd.s32 @p0 $0x11B8D, s5;
	s6 =	sshll.u32 @p0 s4, $0x11  }
0xaa: {  	s5 =	sor.u32 @p0 s6, s5  }
0xab: {  	[sflag:s5] =	ssyncadd.remote.s32 @p0 $0x1;
	_ =	sdelay $0x1  }
0xac: {  	s5 =	simm.s32 @p0 $0x1B8D  }
0xad: {  	_ =	swait.eq @p0 [sflag:s5], $0x1  }
0xae: {  	[sflag:s5] =	ssyncadd.s32 @p0 $0xFFFFFFFF  }
0xaf: {  	s6 =	sshll.u32 @!p0 s1, $0xE  }
0xb0: {  	s6 =	sor.u32 @!p0 $0x4000, s6;
	s5 =	simm.s32 @!p0 $0x1B8D  }
0xb1: {  	s4 =	sshll.u32 @!p0 s4, $0x11;
	s6 =	sadd.s32 @!p0 $0x11B8D, s6;
	_ =	swait.eq @!p0 [sflag:s5], $0x1  }
0xb2: {  	s4 =	sor.u32 @!p0 s4, s6;
	[sflag:s5] =	ssyncadd.s32 @!p0 $0xFFFFFFFF  }
0xb3: {  	s25 =	simm.s32 $0x1B8E;
	s24 =	sld [smem:$0x3FFE];
	[sflag:s4] =	ssyncadd.remote.s32 @!p0 $0x1  }
0xb4: {  	s26 =	simm.s32 $execute0_lowered;
	[smem:$0x3FD2] =	sst s25  }
0xb5: {  	s5 =	sshll.u32 s26, $0x1;
	_ =	strace $0x80000052;
	[dreg:$0x1] =	wrdreg $0xFFFFFFFF  }
0xb6: {  	s28 =	simm.s32 $_size_execute0_lowered;
	s3 =	sadd.s32 s3, s5;
	[dreg:$0x0] =	wrdreg $0x0  }
0xb7: {  	s5 =	sshll.u32 s28, $0x1;
	[dreg:$0x2] =	wrdreg s3  }
0xb8: {  	[dreg:$0x3] =	wrdreg s5  }
0xb9: {  	[dreg:$0x4] =	wrdreg $0xC0  }
0xba: {  	_ =	task [dreg:s22], $0x5FFFF  }
0xbb: {  	[dreg:$0x1] =	wrdreg $0xFFFFFFFF  }
0xbc: {  	[dreg:$0x0] =	wrdreg $0x60  }
0xbd: {  	[dreg:$0x2] =	wrdreg s24  }
0xbe: {  	[dreg:$0x3] =	wrdreg $0xB  }
0xbf: {  	_ =	task.clear_ibuf [dreg:s22], $0x4FFFF;
	_ =	strace $0x90000052  }
0xc0: {  	s29 =	simm.s32 $0xB;
	_ =	strace $0x80000054  }
0xc1: {  	_ =	swait.ge [sflag:s29], $0x1  }
0xc2: {  	[sflag:s29] =	ssyncadd.s32 $0xFFFFFFFF  }
0xc3: {  	_ =	strace $0x90000054  }
0xc4: {  	_ =	sfence  }
0xc5: {  	s30 =	sld [smem:$0x0];
	_ =	sdelay $0x2  }
0xc6: {  	s31 =	sshll.u32 s1, $0xD;
	s1 =	sshrl.u32 s1, $0x2  }
0xc7: {  	s4 =	sand.u32 $0x4000, s31;
	s1 =	sadd.s32 s1, s30  }
0xc8: {  	s0 =	sor.u32 s4, s0;
	s1 =	sshll.u32 s1, $0x11  }
0xc9: {  	s0 =	sor.u32 s1, s0  }
0xca: {  	s0 =	sadd.s32 $0x8F2B, s0  }
0xcb: {  	[sflag:s0] =	ssyncadd.remote.s32 $0x1  }
0xcc: {  	_ =	sfence.sel $0xFFFF  }
0xcd: {  	[dreg:$0x0] =	wrdreg $0xFFFFFFFF;
	(pc) =	sbr.abs _section_cstart, $3  }
0xce: {  	[dreg:$0x1] =	wrdreg $0xFFFFFFFF  }
0xcf: {  	_ =	task.clear_ibuf [dreg:s22], $0x2FFFF;
	_ =	strace $0x9FFFFFFF  }
0xd0: {  	(tm) =	ssettm $0x7FFFFFFF  }
0xd1: {  	_ =	shalt  }
tec
execute0_lowered:
.L_overlay_start_1:
0x0: {  	(tag) =	ssettag $0x1  }
0x1: {  	s7 =	rddreg [dreg:$0x0]  }
0x2: {  	s0 =	rddreg [dreg:$0x1];
	_ =	strace $0x80000053  }
0x3: {  	s1 =	srdreg.scid;
	s4 =	simm.s32 $0x1;
	s9 =	simm.s32 $0x3  }
0x4: {  	s12 =	simm.s32 $0x0;
	s10 =	simm.s32 $0x0;
	s5 =	sshll.u32 s1, $0x4  }
.Ltmp0:
0x5: {  	s1 =	stileid.u32;
	s5 =	sand.u32 $0x10, s5;
	(pc) =	sbr.rel .LBB2_1-.Ltmp0, $4  }
0x6: {  	s2 =	sadd.s32 $0x44C00, s7;
	s3 =	sadd.s32 $0x2C00, s7;
	s6 =	sor.u32 s1, s5  }
0x7: {  	[sflag:s4] =	ssyncpa.u1 $0x0;
	s5 =	simm.s32 $0x2;
	s6 =	sshll.u32 s6, $0x6  }
0x8: {  	s7 =	sadd.s32 $0x3000, s7;
	[sflag:s5] =	ssyncpa.u1 $0x0;
	s8 =	sadd.s32 $0x40, s6  }
0x9: {  	vm0 =	vmmov $0xff;
	vm1 =	vcmask $0x3F20;
	[sflag:s9] =	ssyncpa.u1 $0x0;
	s9 =	simm.s32 $0x40;
	s11 =	smov.u32 s6  }
.LBB2_9:
0xa: {  	p0 =	seq.s32 s10, $0x2  }
.Ltmp1:
0xb: {  	_ = 	snop;
	(pc) =	sbr.rel @p0 .LBB2_11-.Ltmp1, $1  }
0xc: {  	_ =	sdelay $0x3  }
.LBB2_10:
0xd: {  	s12 =	sadd.s32 $0x40, s11  }
0xe: {  	s13 =	smov.u32 s6;
	p0 =	slt.s32 s12, s8  }
0xf: {  	s13 =	smov.u32 @p0 s12  }
0x10: {  	s10 =	sadd.s32 $0x1, s10;
	s12 =	smov.u32 s11;
	s11 =	smov.u32 s13  }
.LBB2_1:
0x11: {  	p0 =	sne.s32 s10, $0x0  }
.Ltmp2:
0x12: {  	_ = 	snop;
	(pc) =	sbr.rel @!p0 .LBB2_2-.Ltmp2, $1  }
0x13: {  	_ =	sdelay $0x3  }
0x14: {  	s13 =	sand.u32 $0x1, s10  }
0x15: {  	p0 =	seq.s32 s13, $0x0  }
.Ltmp3:
0x16: {  	_ = 	snop;
	(pc) =	sbr.rel @p0 .LBB2_9-.Ltmp3, $1  }
0x17: {  	_ =	sdelay $0x3  }
0x18: {  	_ =	swait.ge [sflag:s5], $0x40  }
0x19: {  	[sflag:s5] =	ssyncset.done $0x0  }
0x1a: {  	s13 =	simm.s32 $0x0;
	[sflag:s5] =	ssyncadd.s32 $0xFFFFFFC0  }
0x1b: {  	v0 =	vld.msk [tilespmem:s13+$0x40 ss:$0x1], $0xffff;
	_ =	sdelay $0x4  }
0x1c: {  	vm2 =	vgt.s32 v0, $0x0  }
0x1d: {  	v0 =	vnsel vm2, $0x0, v0  }
0x1e: {  	v0 =	vmin.u32 v0, $0xF423F  }
0x1f: {  	v0 =	vshll.u32 v0, $0x4;
	_ =	sdelay $0x3  }
0x20: {  	s13 =	simm.s32 $0x2080  }
0x21: {  	[tilespmem:s13], [sflag:$0x1] =	stream.indirect_vreg.gather [hbm:s2], $0x80, v0, vm0, $0x38;
	[tilespmem:$0x4080] =	vst v63  }
0x22: {  	s14 =	simm.s32 $0x2480;
	s31 =	simm.s32 $0x10  }
0x23: {  	[tilespmem:s14], [sflag:$0x1] =	stream.indirect_vreg.gather [hbm:s2], $0x80, v0, vm1, $0x38;
	[tilespmem:$0x4080] =	vst v63  }
0x24: {  	s14 =	simm.s32 $0x80;
	v0 =	vld.msk [tilespmem:s31+$0x40 ss:$0x1], $0xffff  }
.LBB2_5:
0x25: {  	p0 =	sne.s32 s14, $0xC0;
	_ =	sdelay $0x4  }
0x26: {  	vm2 =	vgt.s32 v0, $0x0  }
0x27: {  	v0 =	vnsel vm2, $0x0, v0  }
0x28: {  	v0 =	vmin.u32 v0, $0xF423F  }
0x29: {  	v0 =	vshll.u32 v0, $0x4;
	_ =	sdelay $0x3  }
.Ltmp4:
0x2a: {  	s13 =	sadd.s32 $0x800, s13;
	(pc) =	sbr.rel @p0 .LBB2_5-.Ltmp4, $4  }
0x2b: {  	[tilespmem:s13], [sflag:$0x1] =	stream.indirect_vreg.gather [hbm:s2], $0x80, v0, vm0, $0x38;
	[tilespmem:$0x4080] =	vst v63  }
0x2c: {  	s15 =	sshra.s32 s14, $0x2;
	s16 =	sadd.s32 $0x400, s13  }
0x2d: {  	[tilespmem:s16], [sflag:$0x1] =	stream.indirect_vreg.gather [hbm:s2], $0x80, v0, vm1, $0x38;
	[tilespmem:$0x4080] =	vst v63  }
0x2e: {  	s14 =	sadd.s32 $0x40, s14;
	v0 =	vld.msk [tilespmem:s15+$0x40 ss:$0x1], $0xffff  }
0x2f: {  	_ =	sdelay $0x3  }
0x30: {  	vm2 =	vgt.s32 v0, $0x0  }
0x31: {  	v0 =	vnsel vm2, $0x0, v0  }
0x32: {  	v0 =	vmin.u32 v0, $0xF423F  }
0x33: {  	v0 =	vshll.u32 v0, $0x4;
	_ =	sdelay $0x3  }
0x34: {  	s13 =	sadd.s32 $0x800, s13  }
0x35: {  	[tilespmem:s13], [sflag:$0x1] =	stream.indirect_vreg.gather [hbm:s2], $0x80, v0, vm0, $0x38;
	[tilespmem:$0x4080] =	vst v63  }
0x36: {  	s13 =	sadd.s32 $0x400, s13  }
0x37: {  	[tilespmem:s13], [sflag:$0x1] =	stream.indirect_vreg.gather [hbm:s2], $0x80, v0, vm1, $0x38;
	[tilespmem:$0x4080] =	vst v63  }
0x38: {  	s12 =	sshll.u32 s12, $0x4;
	s14 =	simm.s32 $0x80;
	_ =	swait.ge [sflag:s4], $0x2000  }
0x39: {  	s15 =	simm.s32 $0x2480;
	s12 =	sadd.s32 s12, s7;
	[sflag:s4] =	ssyncset.done $0x0  }
0x3a: {  	s16 =	sadd.s32 $0x0, s12;
	s13 =	simm.s32 $0x2080;
	[sflag:s4] =	ssyncadd.s32 $0xFFFFE000  }
.LBB2_7:
0x3b: {  	[hbm:s16] =	stream.linear.scatter [tilespmem:s13], [sflag:$0x3], $0x400, $0x38;
	[tilespmem:$0x4080] =	vst v63  }
0x3c: {  	s16 =	smov.u32 s14;
	s13 =	smov.u32 s15;
	p0 =	sne.s32 s14, $0x380  }
.Ltmp5:
0x3d: {  	s14 =	sadd.s32 $0x80, s14;
	(pc) =	sbr.rel @p0 .LBB2_7-.Ltmp5, $2  }
0x3e: {  	_ =	sdelay $0x2  }
0x3f: {  	s15 =	sadd.s32 $0x400, s15;
	s16 =	sadd.s32 s16, s12  }
.Ltmp6:
0x40: {  	(pc) =	sbr.rel .LBB2_9-.Ltmp6, $2  }
0x41: {  	_ =	sdelay $0x2  }
0x42: {  	[hbm:s16] =	stream.linear.scatter [tilespmem:s13], [sflag:$0x3], $0x400, $0x38;
	[tilespmem:$0x4080] =	vst v63  }
.LBB2_2:
.Ltmp7:
0x43: {  	(pc) =	sbr.rel .LBB2_10-.Ltmp7, $4  }
0x44: {  	_ = 	snop  }
0x45: {  	s12 =	sshrl.u32 s11, $0x3  }
0x46: {  	s13 =	sand.u32 $0x7, s11;
	s12 =	sadd.s32 s3, s12  }
0x47: {  	[tilespmem:s9], [sflag:$0x2] =	stream.linear.gather [hbm4b:s12+s13], $0x40, $0x38;
	[tilespmem:$0x4080] =	vst v63  }
.LBB2_11:
0x48: {  	s2 =	simm.s32 $0x3  }
0x49: {  	_ =	swait.ge [sflag:s2], $0x2000  }
0x4a: {  	[sflag:s2] =	ssyncset.done $0x0  }
0x4b: {  	[sflag:s2] =	ssyncadd.s32 $0xFFFFE000  }
0x4c: {  	_ =	sfence.sel $0x180000  }
0x4d: {  	s3 =	simm.s32 $0x2;
	[bflag:$0x0] =	sbarrier.arrive $0xFFFF  }
0x4e: {  	[sflag:s3] =	ssyncpa.u1 $0x1  }
0x4f: {  	s31 =	simm.s32 $0x1;
	[sflag:s2] =	ssyncpa.u1 $0x1  }
0x50: {  	[sflag:s31] =	ssyncpa.u1 $0x1  }
0x51: {  	p0 =	sne.s32 s1, $0x0;
	_ =	strace $0x90000053  }
0x52: {  	s0 =	sadd.s32 @!p0 $0x100000, s0;
	[bflag:$0x2] =	sbarrier.arrive $0xFFFF  }
0x53: {  	[sflag:s0] =	ssyncadd.tile.s32 @!p0 $0x1;
	_ =	shalt  }
.Lfunc_end2:
_tile_overlayer_lowered:
.L_overlay_start_2:
0x54: {  	(tag) =	ssettag $0x2  }
0x55: {  	s0 =	rddreg [dreg:$0x0];
	s2 =	stileid.u32  }
0x56: {  	s1 =	rddreg [dreg:$0x1];
	p0 =	sne.s32 s2, $0x0  }
0x57: {  	s3 =	rddreg [dreg:$0x2];
	[bflag:$0x3] =	sbarrier.arrive $0xFFFF;
	s2 =	simm.s32 @!p0 $0x1C01  }
0x58: {  	[timem:s3], [sflag:s2] =	dma.local @!p0 [hbm:s0], s1  }
0x59: {  	s0 =	simm.s32 @!p0 $0x1  }
0x5a: {  	_ =	swait.ge @!p0 [sflag:s0], s1  }
0x5b: {  	s1 =	ssub.s32 @!p0 $0x0, s1;
	[sflag:s0] =	ssyncset.done @!p0 $0x0  }
0x5c: {  	[sflag:s0] =	ssyncadd.s32 @!p0 s1  }
0x5d: {  	[bflag:$0x3] =	sbarrier.arrive $0xFFFF  }
0x5e: {  	_ =	shalt  }

// kernel: gather_offload_async_start.3
scs
__scs_entry_jumppad:
0x0: {  	(pc) =	sbr.rel $0x88, $3  }
0x1: {  	(tag) =	ssettag $0x0;
	lr =	simm.s32 $0x1  }
0x2: {  	[smem:$0x3F9D] =	sst lr;
	_ =	strace $0xD0000000  }
0x3: {  	_ = 	snop  }
0x4: {  	_ = 	snop  }
0x5: {  	_ = 	snop  }
0x6: {  	_ = 	snop  }
0x7: {  	_ = 	snop  }
__scs_overlays_trampoline_lowered:
0x8: {  	[smem:$0x3FAC] =	sst s0  }
0x9: {  	[smem:$0x3FAD] =	sst s1  }
0xa: {  	[smem:$0x3FAE] =	sst s2  }
0xb: {  	[smem:$0x3FAF] =	sst s3  }
0xc: {  	[smem:$0x3FB0] =	sst s4  }
0xd: {  	[smem:$0x3FB1] =	sst s5  }
0xe: {  	[smem:$0x3FB2] =	sst s6  }
0xf: {  	[smem:$0x3FB3] =	sst s7  }
0x10: {  	[smem:$0x3FB4] =	sst s8  }
0x11: {  	[smem:$0x3FB5] =	sst s9;
	s0 =	simm.s32 @!p0 $0x0  }
0x12: {  	s1 =	sld [smem:$0x3F9B];
	s0 =	simm.s32 @p0 $0x1  }
0x13: {  	[smem:$0x3FB6] =	sst s0;
	s0 =	simm.s32 @!p1 $0x0  }
0x14: {  	s2 =	sld [smem:$0x3F9A];
	s0 =	simm.s32 @p1 $0x1  }
0x15: {  	[smem:$0x3FB7] =	sst s0;
	s0 =	simm.s32 @!p2 $0x0  }
0x16: {  	s3 =	sld [smem:$0x3FDB];
	s0 =	simm.s32 @p2 $0x1  }
0x17: {  	s4 =	simm.s32 $0x1BF5;
	[smem:$0x3FB9] =	sst s0  }
0x18: {  	s0 =	sld [smem:$0x3F9C];
	_ =	swait.ge [sflag:s4], $0x0  }
0x19: {  	s7 =	sld [smem:$0x3F9D]  }
0x1a: {  	s8 =	sadd.s32 $0xFFFFE003, lr  }
0x1b: {  	s9 =	sadd.s32 $0xFFFFFEF7, lr;
	s5 =	simm.s32 $0xFFFFFFFF;
	p2 =	slt.u32 s8, $0xFFFFF086  }
0x1c: {  	p1 =	slt.u32 s9, $0xF7A;
	s5 =	simm.s32 @!p2 $0x0  }
0x1d: {  	s5 =	simm.s32 @p1 $0x1;
	p0 =	seq.s32 s7, s2  }
0x1e: {  	s7 =	smul.u32 @!p0 $0xF7A, s2;
	p2 =	seq.s32 @!p0 s5, $0x0  }
0x1f: {  	s9 =	smul.u32 $0xF7A, s1;
	s8 =	simm.s32 @!p0 $0x1BF5;
	p2 =	por !p2, p0  }
0x20: {  	[sflag:s8] =	ssyncset.s32 @!p0 $0xFFFFF086;
	s6 =	sadd.s32 @!p0 s3, s7;
	s7 =	simm.s32 @!p0 $0x108  }
0x21: {  	s3 =	sadd.s32 s3, s9;
	s6 =	sadd.s32 @!p0 $0x88, s6;
	s7 =	simm.s32 @p2 $0x1082  }
0x22: {  	[simem:s7], [sflag:s8] =	dma.local @!p0 [hbm:s6], $0xF7A  }
0x23: {  	s9 =	sor.u32 $0xD0000000, s2;
	s6 =	simm.s32 $0x108;
	_ =	swait.ge @!p0 [sflag:s8], $0x0  }
0x24: {  	s3 =	sadd.s32 $0x88, s3;
	s6 =	simm.s32 @!p1 $0x1082;
	[sflag:s4] =	ssyncset.s32 $0xFFFFF086  }
0x25: {  	[simem:s6], [sflag:s4] =	dma.local [hbm:s3], $0xF7A  }
0x26: {  	[smem:$0x3F9D] =	sst s1;
	(tag) =	ssettag s2;
	_ =	strace s9  }
0x27: {  	s1 =	sld [smem:$0x3FAD]  }
0x28: {  	s2 =	sld [smem:$0x3FAE]  }
0x29: {  	s4 =	sld [smem:$0x3FB0]  }
0x2a: {  	p0 =	seq.s32 s5, $0x0;
	s5 =	sld [smem:$0x3FB1]  }
0x2b: {  	s6 =	sld [smem:$0x3FB2]  }
0x2c: {  	s7 =	sld [smem:$0x3FB3]  }
0x2d: {  	s3 =	simm.s32 $0x108;
	s8 =	sld [smem:$0x3FB4]  }
0x2e: {  	s3 =	simm.s32 @!p0 $0x1082;
	s9 =	sld [smem:$0x3FB5]  }
0x2f: {  	lr =	sadd.s32 s0, s3;
	s0 =	sld [smem:$0x3FAC]  }
0x30: {  	s3 =	sld [smem:$0x3FAF]  }
0x31: {  	[smem:$0x3FB8] =	sst s10  }
0x32: {  	s10 =	sld [smem:$0x3FB6];
	_ =	sdelay $0x3  }
0x33: {  	p0 =	seq.s32 s10, $0x1;
	s10 =	sld [smem:$0x3FB8];
	_ =	sdelay $0x3  }
0x34: {  	[smem:$0x3FB8] =	sst s10  }
0x35: {  	s10 =	sld [smem:$0x3FB7];
	_ =	sdelay $0x3  }
0x36: {  	p1 =	seq.s32 s10, $0x1;
	s10 =	sld [smem:$0x3FB8];
	_ =	sdelay $0x3  }
0x37: {  	[smem:$0x3FB8] =	sst s10  }
0x38: {  	s10 =	sld [smem:$0x3FB9]  }
0x39: {  	_ = 	snop;
	(pc) =	sbr.ind lr, $3  }
0x3a: {  	_ = 	snop  }
0x3b: {  	_ = 	snop  }
0x3c: {  	p2 =	seq.s32 s10, $0x1;
	s10 =	sld [smem:$0x3FB8]  }
0x3d: {  	_ =	shalt  }
0x3e: {  	_ =	shalt  }
0x3f: {  	_ =	shalt  }
0x40: {  	_ =	shalt  }
0x41: {  	_ =	shalt  }
0x42: {  	_ =	shalt  }
0x43: {  	_ =	shalt  }
0x44: {  	_ =	shalt  }
0x45: {  	_ =	shalt  }
0x46: {  	_ =	shalt  }
0x47: {  	_ =	shalt  }
0x48: {  	_ =	shalt  }
0x49: {  	_ =	shalt  }
0x4a: {  	_ =	shalt  }
0x4b: {  	_ =	shalt  }
0x4c: {  	_ =	shalt  }
0x4d: {  	_ =	shalt  }
0x4e: {  	_ =	shalt  }
0x4f: {  	_ =	shalt  }
0x50: {  	_ =	shalt  }
0x51: {  	_ =	shalt  }
0x52: {  	_ =	shalt  }
0x53: {  	_ =	shalt  }
0x54: {  	_ =	shalt  }
0x55: {  	_ =	shalt  }
0x56: {  	_ =	shalt  }
0x57: {  	_ =	shalt  }
0x58: {  	_ =	shalt  }
0x59: {  	_ =	shalt  }
0x5a: {  	_ =	shalt  }
0x5b: {  	_ =	shalt  }
0x5c: {  	_ =	shalt  }
0x5d: {  	_ =	shalt  }
0x5e: {  	_ =	shalt  }
0x5f: {  	_ =	shalt  }
0x60: {  	_ =	shalt  }
0x61: {  	_ =	shalt  }
0x62: {  	_ =	shalt  }
0x63: {  	_ =	shalt  }
0x64: {  	_ =	shalt  }
0x65: {  	_ =	shalt  }
0x66: {  	_ =	shalt  }
0x67: {  	_ =	shalt  }
0x68: {  	_ =	shalt  }
0x69: {  	_ =	shalt  }
0x6a: {  	_ =	shalt  }
0x6b: {  	_ =	shalt  }
0x6c: {  	_ =	shalt  }
0x6d: {  	_ =	shalt  }
0x6e: {  	_ =	shalt  }
0x6f: {  	_ =	shalt  }
0x70: {  	_ =	shalt  }
0x71: {  	_ =	shalt  }
0x72: {  	_ =	shalt  }
0x73: {  	_ =	shalt  }
0x74: {  	_ =	shalt  }
0x75: {  	_ =	shalt  }
0x76: {  	_ =	shalt  }
0x77: {  	_ =	shalt  }
0x78: {  	_ =	shalt  }
0x79: {  	_ =	shalt  }
0x7a: {  	_ =	shalt  }
0x7b: {  	_ =	shalt  }
0x7c: {  	_ =	shalt  }
0x7d: {  	_ =	shalt  }
0x7e: {  	_ =	shalt  }
0x7f: {  	_ =	shalt  }
0x80: {  	_ =	shalt  }
0x81: {  	_ =	shalt  }
0x82: {  	_ =	shalt  }
0x83: {  	_ =	shalt  }
0x84: {  	_ =	shalt  }
0x85: {  	_ =	shalt  }
0x86: {  	_ =	shalt  }
0x87: {  	_ =	shalt  }
.Lfunc_end0:
.L_simem_size_0:
called_computation.3_lowered:
.L_overlay_start_0:
0x88: {  	s2 =	sld [smem:$0x3FD9]  }
0x89: {  	s3 =	sld [smem:$0x3FFE];
	_ =	sdelay $0x1  }
0x8a: {  	s1 =	srdreg.scid  }
0x8b: {  	s0 =	sand.u32 $0x1, s1  }
0x8c: {  	s17 =	sshll.u32 s0, $0xA;
	s2 =	sadd.s32 s3, s2  }
0x8d: {  	s2 =	sadd.s32 s2, s17  }
0x8e: {  	[smem:$0x3FC4] =	sst s2  }
0x8f: {  	_ = 	snop  }
0x90: {  	s18 =	sld [smem:$0x3FC6];
	(tm) =	ssettm $0x1  }
0x91: {  	s19 =	sld [smem:$0x3FFB];
	_ =	sdelay $0x3  }
0x92: {  	_ =	strace s19  }
0x93: {  	s2 =	sld [smem:$0x3FFC];
	_ =	sdelay $0x3  }
0x94: {  	_ =	strace s2  }
0x95: {  	s2 =	sld [smem:$0x3FFD];
	_ =	sdelay $0x3  }
0x96: {  	_ =	strace s2  }
0x97: {  	_ =	strace $0x8FFFFFFF  }
0x98: {  	s20 =	sld [smem:$0x3FDB];
	_ =	sdelay $0x1  }
0x99: {  	s4 =	simm.s32 $_scs_section_size  }
0x9a: {  	s5 =	simm.s32 $_size__tile_overlayer_lowered;
	s6 =	simm.s32 $_tile_overlayer_lowered  }
0x9b: {  	s7 =	simm.s32 $0x1BFF;
	s21 =	sshll.u32 s6, $0x1;
	s4 =	sadd.s32 s4, s20  }
0x9c: {  	s22 =	simm.s32 $0x0;
	s5 =	sshll.u32 s5, $0x1;
	s6 =	sadd.s32 s21, s4  }
0x9d: {  	[timem:s22], [sflag:s7] =	dma.local [hbm:s6], s5  }
0x9e: {  	_ =	swait.ge [sflag:s7], s5  }
0x9f: {  	s5 =	ssub.s32 $0x0, s5;
	[sflag:s7] =	ssyncset.done $0x0  }
0xa0: {  	[sflag:s7] =	ssyncadd.s32 s5;
	_ =	sdelay $0x1  }
0xa1: {  	s23 =	simm.s32 $0x1B8B  }
0xa2: {  	_ =	swait.ge [sflag:s23], $0x1  }
0xa3: {  	[sflag:s23] =	ssyncset.done $0x0  }
0xa4: {  	[sflag:s23] =	ssyncadd.s32 $0xFFFFFFFF  }
0xa5: {  	s5 =	sld [smem:$0x0]  }
0xa6: {  	s6 =	sand.u32 $0xFFFFFFFE, s1  }
0xa7: {  	p0 =	sne.s32 s1, s6  }
0xa8: {  	s6 =	sshll.u32 @p0 s6, $0xE  }
0xa9: {  	s6 =	sadd.s32 @p0 $0x11B8D, s6;
	s7 =	sshll.u32 @p0 s5, $0x11  }
0xaa: {  	s6 =	sor.u32 @p0 s7, s6  }
0xab: {  	[sflag:s6] =	ssyncadd.remote.s32 @p0 $0x1;
	_ =	sdelay $0x1  }
0xac: {  	s6 =	simm.s32 @p0 $0x1B8D  }
0xad: {  	_ =	swait.eq @p0 [sflag:s6], $0x1  }
0xae: {  	[sflag:s6] =	ssyncadd.s32 @p0 $0xFFFFFFFF  }
0xaf: {  	s7 =	sshll.u32 @!p0 s1, $0xE  }
0xb0: {  	s7 =	sor.u32 @!p0 $0x4000, s7;
	s6 =	simm.s32 @!p0 $0x1B8D  }
0xb1: {  	s5 =	sshll.u32 @!p0 s5, $0x11;
	s7 =	sadd.s32 @!p0 $0x11B8D, s7;
	_ =	swait.eq @!p0 [sflag:s6], $0x1  }
0xb2: {  	s5 =	sor.u32 @!p0 s5, s7;
	[sflag:s6] =	ssyncadd.s32 @!p0 $0xFFFFFFFF  }
0xb3: {  	s25 =	simm.s32 $0x1B8E;
	s24 =	sld [smem:$0x3FFE];
	[sflag:s5] =	ssyncadd.remote.s32 @!p0 $0x1  }
0xb4: {  	s26 =	simm.s32 $execute0_lowered;
	[smem:$0x3FD2] =	sst s25  }
0xb5: {  	s6 =	sshll.u32 s26, $0x1;
	_ =	strace $0x8000004F;
	[dreg:$0x1] =	wrdreg $0xFFFFFFFF  }
0xb6: {  	s28 =	simm.s32 $_size_execute0_lowered;
	s4 =	sadd.s32 s4, s6;
	[dreg:$0x0] =	wrdreg $0x0  }
0xb7: {  	s6 =	sshll.u32 s28, $0x1;
	[dreg:$0x2] =	wrdreg s4  }
0xb8: {  	[dreg:$0x3] =	wrdreg s6  }
0xb9: {  	[dreg:$0x4] =	wrdreg $0xC0  }
0xba: {  	_ =	task [dreg:s22], $0x5FFFF  }
0xbb: {  	[dreg:$0x1] =	wrdreg $0xFFFFFFFF  }
0xbc: {  	[dreg:$0x0] =	wrdreg $0x60  }
0xbd: {  	[dreg:$0x2] =	wrdreg s18  }
0xbe: {  	[dreg:$0x3] =	wrdreg s24  }
0xbf: {  	[dreg:$0x4] =	wrdreg $0xC  }
0xc0: {  	_ =	task.clear_ibuf [dreg:s22], $0x5FFFF;
	_ =	strace $0x9000004F  }
0xc1: {  	s29 =	simm.s32 $0xC;
	_ =	strace $0x80000051  }
0xc2: {  	_ =	swait.ge [sflag:s29], $0x1  }
0xc3: {  	[sflag:s29] =	ssyncadd.s32 $0xFFFFFFFF  }
0xc4: {  	_ =	strace $0x90000051  }
0xc5: {  	_ =	sfence  }
0xc6: {  	s30 =	sld [smem:$0x0];
	_ =	sdelay $0x2  }
0xc7: {  	s31 =	sshll.u32 s1, $0xD;
	s1 =	sshrl.u32 s1, $0x2  }
0xc8: {  	s4 =	sand.u32 $0x4000, s31;
	s1 =	sadd.s32 s1, s30  }
0xc9: {  	s0 =	sor.u32 s4, s0;
	s1 =	sshll.u32 s1, $0x11  }
0xca: {  	s0 =	sor.u32 s1, s0  }
0xcb: {  	s0 =	sadd.s32 $0x8F2B, s0  }
0xcc: {  	[sflag:s0] =	ssyncadd.remote.s32 $0x1  }
0xcd: {  	_ =	sfence.sel $0xFFFF  }
0xce: {  	[dreg:$0x0] =	wrdreg $0xFFFFFFFF;
	(pc) =	sbr.abs _section_cstart, $3  }
0xcf: {  	[dreg:$0x1] =	wrdreg $0xFFFFFFFF  }
0xd0: {  	_ =	task.clear_ibuf [dreg:s22], $0x2FFFF;
	_ =	strace $0x9FFFFFFF  }
0xd1: {  	(tm) =	ssettm $0x7FFFFFFF  }
tec
execute0_lowered:
.L_overlay_start_1:
0x0: {  	(tag) =	ssettag $0x1  }
0x1: {  	s1 =	srdreg.scid;
	s2 =	rddreg [dreg:$0x0]  }
0x2: {  	s0 =	stileid.u32;
	s6 =	rddreg [dreg:$0x1];
	s1 =	sshll.u32 s1, $0x5  }
0x3: {  	s7 =	simm.s32 $0x1;
	s3 =	sshll.u32 s0, $0x6;
	s1 =	sand.u32 $0x20, s1  }
0x4: {  	s30 =	simm.s32 $0x2;
	s31 =	simm.s32 $0x3;
	s3 =	sor.u32 s3, s1  }
0x5: {  	s11 =	simm.s32 $0x0;
	s9 =	simm.s32 $0x0;
	s5 =	ssub.s32 $0x800, s3  }
0x6: {  	s4 =	sadd.s32 $0x2C00, s6;
	s6 =	sadd.s32 $0x2E00, s6;
	s8 =	sand.u32 $0x3E0, s5  }
0x7: {  	s1 =	rddreg [dreg:$0x2];
	_ =	strace $0x80000050;
	p0 =	sne.s32 s8, $0x0  }
0x8: {  	[sflag:s7] =	ssyncpa.u1 $0x0;
	s5 =	sshrl.u32 s5, $0xA;
	s7 =	simm.s32 @!p0 $0x0  }
0x9: {  	s10 =	smov.u32 s3;
	[sflag:s30] =	ssyncpa.u1 $0x0;
	s5 =	sadd.s32 s7, s5  }
0xa: {  	[sflag:s31] =	ssyncpa.u1 $0x0;
	s8 =	simm.s32 $0x0;
	s7 =	sadd.s32 $0x1, s5  }
.LBB2_1:
0xb: {  	p0 =	sge.u32 s9, s5  }
0xc: {  	s31 =	sadd.s32 $0xFFFFFFFF, s9;
	s12 =	sxor.u32 @!p0 $0xFFFFFFFF, s8;
	s13 =	sshrl.u32 @!p0 s10, $0x3  }
0xd: {  	s14 =	sand.u32 @!p0 $0x7, s10;
	s12 =	sand.u32 @!p0 $0x20, s12;
	s13 =	sadd.s32 @!p0 s4, s13  }
0xe: {  	[tilespmem:s12], [sflag:$0x2] =	stream.linear.gather @!p0 [hbm4b:s13+s14], $0x20, $0x38;
	[tilespmem:$0x80] =	vst v63  }
0xf: {  	p0 =	sge.u32 s31, s5  }
0x10: {  	s12 =	simm.s32 @!p0 $0x2  }
0x11: {  	_ =	swait.ge @!p0 [sflag:s12], $0x20  }
0x12: {  	[sflag:s12] =	ssyncset.done @!p0 $0x0  }
0x13: {  	[sflag:s12] =	ssyncadd.s32 @!p0 $0xFFFFFFE0;
	s12 =	sand.u32 @!p0 $0x20, s8  }
0x14: {  	(ifvalue) =	ssetifvalue @!p0 $0x7FFFFFFF;
	v0 =	vld.msk @!p0 [tilespmem:s12+$0x0 ss:$0x1], $0xffff;
	_ =	sdelay $0x4  }
0x15: {  	vm0 =	vgt.s32 @!p0 v0, $0x0  }
0x16: {  	v0 =	vnsel @!p0 vm0, $0x0, v0  }
0x17: {  	v0 =	vmin.u32 @!p0 v0, $0xF423F;
	_ =	sdelay $0x2  }
0x18: {  	s14 =	simm.s32 @!p0 $0x0  }
0x19: {  	s13 =	sor.u32 @!p0 $0x40, s12;
	(ifvalue) =	ssetifvalue @!p0 $0x7FFFFFFF;
	s15 =	sor.u32 @!p0 $0x10, s12;
	vm0 =	vmmov @!p0 $0xffff  }
0x1a: {  	[tilespmem:s13], [sflag:$0x1] =	stream.indirect_vreg.gather @!p0 [hbm4b:s2+s14], $0x1, v0, vm0, $0x4038;
	[tilespmem:$0x80] =	vst v63  }
0x1b: {  	v0 =	vld.msk @!p0 [tilespmem:s15+$0x0 ss:$0x1], $0xffff;
	_ =	sdelay $0x4  }
0x1c: {  	vm1 =	vgt.s32 @!p0 v0, $0x0  }
0x1d: {  	v0 =	vnsel @!p0 vm1, $0x0, v0  }
0x1e: {  	v0 =	vmin.u32 @!p0 v0, $0xF423F;
	_ =	sdelay $0x3  }
0x1f: {  	s12 =	sor.u32 @!p0 $0x50, s12;
	(ifvalue) =	ssetifvalue @!p0 $0x7FFFFFFF  }
0x20: {  	[tilespmem:s12], [sflag:$0x1] =	stream.indirect_vreg.gather @!p0 [hbm4b:s2+s14], $0x1, v0, vm0, $0x4038;
	[tilespmem:$0x80] =	vst v63  }
0x21: {  	s12 =	simm.s32 @!p0 $0x1  }
0x22: {  	_ =	swait.ge @!p0 [sflag:s12], $0x20  }
0x23: {  	s14 =	sshrl.u32 @!p0 s11, $0x3;
	[sflag:s12] =	ssyncset.done @!p0 $0x0  }
0x24: {  	s11 =	sand.u32 @!p0 $0x7, s11;
	[sflag:s12] =	ssyncadd.s32 @!p0 $0xFFFFFFE0;
	s12 =	sadd.s32 @!p0 s6, s14  }
0x25: {  	[hbm4b:s12+s11] =	stream.linear.scatter @!p0 [tilespmem:s13], [sflag:$0x3], $0x20, $0x38;
	[tilespmem:$0x80] =	vst v63  }
0x26: {  	s13 =	sadd.s32 $0x400, s10  }
0x27: {  	p1 =	sgt.s32 s13, $0x7FF  }
0x28: {  	s13 =	smov.u32 @p1 s3;
	p1 =	sne.s32 s9, s7  }
.Ltmp0:
0x29: {  	p0 =	slt.u32 s9, $0x2;
	(pc) =	sbr.rel @p1 .LBB2_1-.Ltmp0, $4  }
0x2a: {  	s12 =	simm.s32 @!p0 $0x3  }
0x2b: {  	_ =	swait.ge @!p0 [sflag:s12], $0x20  }
0x2c: {  	s8 =	sadd.s32 $0x20, s8;
	s11 =	smov.u32 s10;
	[sflag:s12] =	ssyncset.done @!p0 $0x0  }
0x2d: {  	s9 =	sadd.s32 $0x1, s9;
	s10 =	smov.u32 s13;
	[sflag:s12] =	ssyncadd.s32 @!p0 $0xFFFFFFE0  }
0x2e: {  	_ =	sfence.sel $0x180000  }
0x2f: {  	s2 =	simm.s32 $0x2;
	[bflag:$0x0] =	sbarrier.arrive $0xFFFF  }
0x30: {  	s30 =	simm.s32 $0x3;
	[sflag:s2] =	ssyncpa.u1 $0x1  }
0x31: {  	s31 =	simm.s32 $0x1;
	[sflag:s30] =	ssyncpa.u1 $0x1  }
0x32: {  	[sflag:s31] =	ssyncpa.u1 $0x1  }
0x33: {  	p0 =	sne.s32 s0, $0x0;
	_ =	strace $0x90000050  }
0x34: {  	s0 =	sadd.s32 @!p0 $0x100000, s1;
	[bflag:$0x2] =	sbarrier.arrive $0xFFFF  }
0x35: {  	[sflag:s0] =	ssyncadd.tile.s32 @!p0 $0x1;
	_ =	shalt  }
.Lfunc_end2:
_tile_overlayer_lowered:
.L_overlay_start_2:
0x36: {  	(tag) =	ssettag $0x2  }
0x37: {  	s0 =	rddreg [dreg:$0x0];
	s2 =	stileid.u32  }
0x38: {  	s1 =	rddreg [dreg:$0x1];
	p0 =	sne.s32 s2, $0x0  }
0x39: {  	s3 =	rddreg [dreg:$0x2];
	[bflag:$0x3] =	sbarrier.arrive $0xFFFF;
	s2 =	simm.s32 @!p0 $0x1C01  }
0x3a: {  	[timem:s3], [sflag:s2] =	dma.local @!p0 [hbm:s0], s1  }
0x3b: {  	s0 =	simm.s32 @!p0 $0x1  }
0x3c: {  	_ =	swait.ge @!p0 [sflag:s0], s1  }
0x3d: {  	s1 =	ssub.s32 @!p0 $0x0, s1;
	[sflag:s0] =	ssyncset.done @!p0 $0x0  }
0x3e: {  	[sflag:s0] =	ssyncadd.s32 @!p0 s1  }
0x3f: {  	[bflag:$0x3] =	sbarrier.arrive $0xFFFF  }
0x40: {  	_ =	shalt  }

// kernel: gather_offload_async_start
scs
__scs_entry_jumppad:
0x0: {  	(pc) =	sbr.rel $0x88, $3  }
0x1: {  	(tag) =	ssettag $0x0;
	lr =	simm.s32 $0x1  }
0x2: {  	[smem:$0x3F9D] =	sst lr;
	_ =	strace $0xD0000000  }
0x3: {  	_ = 	snop  }
0x4: {  	_ = 	snop  }
0x5: {  	_ = 	snop  }
0x6: {  	_ = 	snop  }
0x7: {  	_ = 	snop  }
__scs_overlays_trampoline_lowered:
0x8: {  	[smem:$0x3FAC] =	sst s0  }
0x9: {  	[smem:$0x3FAD] =	sst s1  }
0xa: {  	[smem:$0x3FAE] =	sst s2  }
0xb: {  	[smem:$0x3FAF] =	sst s3  }
0xc: {  	[smem:$0x3FB0] =	sst s4  }
0xd: {  	[smem:$0x3FB1] =	sst s5  }
0xe: {  	[smem:$0x3FB2] =	sst s6  }
0xf: {  	[smem:$0x3FB3] =	sst s7  }
0x10: {  	[smem:$0x3FB4] =	sst s8  }
0x11: {  	[smem:$0x3FB5] =	sst s9;
	s0 =	simm.s32 @!p0 $0x0  }
0x12: {  	s1 =	sld [smem:$0x3F9B];
	s0 =	simm.s32 @p0 $0x1  }
0x13: {  	[smem:$0x3FB6] =	sst s0;
	s0 =	simm.s32 @!p1 $0x0  }
0x14: {  	s2 =	sld [smem:$0x3F9A];
	s0 =	simm.s32 @p1 $0x1  }
0x15: {  	[smem:$0x3FB7] =	sst s0;
	s0 =	simm.s32 @!p2 $0x0  }
0x16: {  	s3 =	sld [smem:$0x3FDB];
	s0 =	simm.s32 @p2 $0x1  }
0x17: {  	s4 =	simm.s32 $0x1BF5;
	[smem:$0x3FB9] =	sst s0  }
0x18: {  	s0 =	sld [smem:$0x3F9C];
	_ =	swait.ge [sflag:s4], $0x0  }
0x19: {  	s7 =	sld [smem:$0x3F9D]  }
0x1a: {  	s8 =	sadd.s32 $0xFFFFE003, lr  }
0x1b: {  	s9 =	sadd.s32 $0xFFFFFEF7, lr;
	s5 =	simm.s32 $0xFFFFFFFF;
	p2 =	slt.u32 s8, $0xFFFFF086  }
0x1c: {  	p1 =	slt.u32 s9, $0xF7A;
	s5 =	simm.s32 @!p2 $0x0  }
0x1d: {  	s5 =	simm.s32 @p1 $0x1;
	p0 =	seq.s32 s7, s2  }
0x1e: {  	s7 =	smul.u32 @!p0 $0xF7A, s2;
	p2 =	seq.s32 @!p0 s5, $0x0  }
0x1f: {  	s9 =	smul.u32 $0xF7A, s1;
	s8 =	simm.s32 @!p0 $0x1BF5;
	p2 =	por !p2, p0  }
0x20: {  	[sflag:s8] =	ssyncset.s32 @!p0 $0xFFFFF086;
	s6 =	sadd.s32 @!p0 s3, s7;
	s7 =	simm.s32 @!p0 $0x108  }
0x21: {  	s3 =	sadd.s32 s3, s9;
	s6 =	sadd.s32 @!p0 $0x88, s6;
	s7 =	simm.s32 @p2 $0x1082  }
0x22: {  	[simem:s7], [sflag:s8] =	dma.local @!p0 [hbm:s6], $0xF7A  }
0x23: {  	s9 =	sor.u32 $0xD0000000, s2;
	s6 =	simm.s32 $0x108;
	_ =	swait.ge @!p0 [sflag:s8], $0x0  }
0x24: {  	s3 =	sadd.s32 $0x88, s3;
	s6 =	simm.s32 @!p1 $0x1082;
	[sflag:s4] =	ssyncset.s32 $0xFFFFF086  }
0x25: {  	[simem:s6], [sflag:s4] =	dma.local [hbm:s3], $0xF7A  }
0x26: {  	[smem:$0x3F9D] =	sst s1;
	(tag) =	ssettag s2;
	_ =	strace s9  }
0x27: {  	s1 =	sld [smem:$0x3FAD]  }
0x28: {  	s2 =	sld [smem:$0x3FAE]  }
0x29: {  	s4 =	sld [smem:$0x3FB0]  }
0x2a: {  	p0 =	seq.s32 s5, $0x0;
	s5 =	sld [smem:$0x3FB1]  }
0x2b: {  	s6 =	sld [smem:$0x3FB2]  }
0x2c: {  	s7 =	sld [smem:$0x3FB3]  }
0x2d: {  	s3 =	simm.s32 $0x108;
	s8 =	sld [smem:$0x3FB4]  }
0x2e: {  	s3 =	simm.s32 @!p0 $0x1082;
	s9 =	sld [smem:$0x3FB5]  }
0x2f: {  	lr =	sadd.s32 s0, s3;
	s0 =	sld [smem:$0x3FAC]  }
0x30: {  	s3 =	sld [smem:$0x3FAF]  }
0x31: {  	[smem:$0x3FB8] =	sst s10  }
0x32: {  	s10 =	sld [smem:$0x3FB6];
	_ =	sdelay $0x3  }
0x33: {  	p0 =	seq.s32 s10, $0x1;
	s10 =	sld [smem:$0x3FB8];
	_ =	sdelay $0x3  }
0x34: {  	[smem:$0x3FB8] =	sst s10  }
0x35: {  	s10 =	sld [smem:$0x3FB7];
	_ =	sdelay $0x3  }
0x36: {  	p1 =	seq.s32 s10, $0x1;
	s10 =	sld [smem:$0x3FB8];
	_ =	sdelay $0x3  }
0x37: {  	[smem:$0x3FB8] =	sst s10  }
0x38: {  	s10 =	sld [smem:$0x3FB9]  }
0x39: {  	_ = 	snop;
	(pc) =	sbr.ind lr, $3  }
0x3a: {  	_ = 	snop  }
0x3b: {  	_ = 	snop  }
0x3c: {  	p2 =	seq.s32 s10, $0x1;
	s10 =	sld [smem:$0x3FB8]  }
0x3d: {  	_ =	shalt  }
0x3e: {  	_ =	shalt  }
0x3f: {  	_ =	shalt  }
0x40: {  	_ =	shalt  }
0x41: {  	_ =	shalt  }
0x42: {  	_ =	shalt  }
0x43: {  	_ =	shalt  }
0x44: {  	_ =	shalt  }
0x45: {  	_ =	shalt  }
0x46: {  	_ =	shalt  }
0x47: {  	_ =	shalt  }
0x48: {  	_ =	shalt  }
0x49: {  	_ =	shalt  }
0x4a: {  	_ =	shalt  }
0x4b: {  	_ =	shalt  }
0x4c: {  	_ =	shalt  }
0x4d: {  	_ =	shalt  }
0x4e: {  	_ =	shalt  }
0x4f: {  	_ =	shalt  }
0x50: {  	_ =	shalt  }
0x51: {  	_ =	shalt  }
0x52: {  	_ =	shalt  }
0x53: {  	_ =	shalt  }
0x54: {  	_ =	shalt  }
0x55: {  	_ =	shalt  }
0x56: {  	_ =	shalt  }
0x57: {  	_ =	shalt  }
0x58: {  	_ =	shalt  }
0x59: {  	_ =	shalt  }
0x5a: {  	_ =	shalt  }
0x5b: {  	_ =	shalt  }
0x5c: {  	_ =	shalt  }
0x5d: {  	_ =	shalt  }
0x5e: {  	_ =	shalt  }
0x5f: {  	_ =	shalt  }
0x60: {  	_ =	shalt  }
0x61: {  	_ =	shalt  }
0x62: {  	_ =	shalt  }
0x63: {  	_ =	shalt  }
0x64: {  	_ =	shalt  }
0x65: {  	_ =	shalt  }
0x66: {  	_ =	shalt  }
0x67: {  	_ =	shalt  }
0x68: {  	_ =	shalt  }
0x69: {  	_ =	shalt  }
0x6a: {  	_ =	shalt  }
0x6b: {  	_ =	shalt  }
0x6c: {  	_ =	shalt  }
0x6d: {  	_ =	shalt  }
0x6e: {  	_ =	shalt  }
0x6f: {  	_ =	shalt  }
0x70: {  	_ =	shalt  }
0x71: {  	_ =	shalt  }
0x72: {  	_ =	shalt  }
0x73: {  	_ =	shalt  }
0x74: {  	_ =	shalt  }
0x75: {  	_ =	shalt  }
0x76: {  	_ =	shalt  }
0x77: {  	_ =	shalt  }
0x78: {  	_ =	shalt  }
0x79: {  	_ =	shalt  }
0x7a: {  	_ =	shalt  }
0x7b: {  	_ =	shalt  }
0x7c: {  	_ =	shalt  }
0x7d: {  	_ =	shalt  }
0x7e: {  	_ =	shalt  }
0x7f: {  	_ =	shalt  }
0x80: {  	_ =	shalt  }
0x81: {  	_ =	shalt  }
0x82: {  	_ =	shalt  }
0x83: {  	_ =	shalt  }
0x84: {  	_ =	shalt  }
0x85: {  	_ =	shalt  }
0x86: {  	_ =	shalt  }
0x87: {  	_ =	shalt  }
.Lfunc_end0:
.L_simem_size_0:
called_computation_lowered:
.L_overlay_start_0:
0x88: {  	s2 =	sld [smem:$0x3FD9]  }
0x89: {  	s3 =	sld [smem:$0x3FFE];
	_ =	sdelay $0x1  }
0x8a: {  	s1 =	srdreg.scid  }
0x8b: {  	s0 =	sand.u32 $0x1, s1  }
0x8c: {  	s17 =	sshll.u32 s0, $0xA;
	s2 =	sadd.s32 s3, s2  }
0x8d: {  	s2 =	sadd.s32 s2, s17  }
0x8e: {  	[smem:$0x3FC4] =	sst s2  }
0x8f: {  	_ = 	snop  }
0x90: {  	(tm) =	ssettm $0x1  }
0x91: {  	s18 =	sld [smem:$0x3FFB];
	_ =	sdelay $0x3  }
0x92: {  	_ =	strace s18  }
0x93: {  	s2 =	sld [smem:$0x3FFC];
	_ =	sdelay $0x3  }
0x94: {  	_ =	strace s2  }
0x95: {  	s2 =	sld [smem:$0x3FFD];
	_ =	sdelay $0x3  }
0x96: {  	_ =	strace s2  }
0x97: {  	_ =	strace $0x8FFFFFFF  }
0x98: {  	s19 =	sld [smem:$0x3FDB];
	_ =	sdelay $0x1  }
0x99: {  	s20 =	simm.s32 $_scs_section_size  }
0x9a: {  	s4 =	simm.s32 $_size__tile_overlayer_lowered;
	s5 =	simm.s32 $_tile_overlayer_lowered  }
0x9b: {  	s6 =	simm.s32 $0x1BFF;
	s21 =	sshll.u32 s5, $0x1;
	s3 =	sadd.s32 s20, s19  }
0x9c: {  	s22 =	simm.s32 $0x0;
	s4 =	sshll.u32 s4, $0x1;
	s5 =	sadd.s32 s21, s3  }
0x9d: {  	[timem:s22], [sflag:s6] =	dma.local [hbm:s5], s4  }
0x9e: {  	_ =	swait.ge [sflag:s6], s4  }
0x9f: {  	s4 =	ssub.s32 $0x0, s4;
	[sflag:s6] =	ssyncset.done $0x0  }
0xa0: {  	[sflag:s6] =	ssyncadd.s32 s4;
	_ =	sdelay $0x1  }
0xa1: {  	s23 =	simm.s32 $0x1B8B  }
0xa2: {  	_ =	swait.ge [sflag:s23], $0x1  }
0xa3: {  	[sflag:s23] =	ssyncset.done $0x0  }
0xa4: {  	[sflag:s23] =	ssyncadd.s32 $0xFFFFFFFF  }
0xa5: {  	s4 =	sld [smem:$0x0]  }
0xa6: {  	s5 =	sand.u32 $0xFFFFFFFE, s1  }
0xa7: {  	p0 =	sne.s32 s1, s5  }
0xa8: {  	s5 =	sshll.u32 @p0 s5, $0xE  }
0xa9: {  	s5 =	sadd.s32 @p0 $0x11B8D, s5;
	s6 =	sshll.u32 @p0 s4, $0x11  }
0xaa: {  	s5 =	sor.u32 @p0 s6, s5  }
0xab: {  	[sflag:s5] =	ssyncadd.remote.s32 @p0 $0x1;
	_ =	sdelay $0x1  }
0xac: {  	s5 =	simm.s32 @p0 $0x1B8D  }
0xad: {  	_ =	swait.eq @p0 [sflag:s5], $0x1  }
0xae: {  	[sflag:s5] =	ssyncadd.s32 @p0 $0xFFFFFFFF  }
0xaf: {  	s6 =	sshll.u32 @!p0 s1, $0xE  }
0xb0: {  	s6 =	sor.u32 @!p0 $0x4000, s6;
	s5 =	simm.s32 @!p0 $0x1B8D  }
0xb1: {  	s4 =	sshll.u32 @!p0 s4, $0x11;
	s6 =	sadd.s32 @!p0 $0x11B8D, s6;
	_ =	swait.eq @!p0 [sflag:s5], $0x1  }
0xb2: {  	s4 =	sor.u32 @!p0 s4, s6;
	[sflag:s5] =	ssyncadd.s32 @!p0 $0xFFFFFFFF  }
0xb3: {  	s25 =	simm.s32 $0x1B8E;
	s24 =	sld [smem:$0x3FFE];
	[sflag:s4] =	ssyncadd.remote.s32 @!p0 $0x1  }
0xb4: {  	s26 =	simm.s32 $execute0_lowered;
	[smem:$0x3FD2] =	sst s25  }
0xb5: {  	s5 =	sshll.u32 s26, $0x1;
	_ =	strace $0x8000004C;
	[dreg:$0x1] =	wrdreg $0xFFFFFFFF  }
0xb6: {  	s28 =	simm.s32 $_size_execute0_lowered;
	s3 =	sadd.s32 s3, s5;
	[dreg:$0x0] =	wrdreg $0x0  }
0xb7: {  	s5 =	sshll.u32 s28, $0x1;
	[dreg:$0x2] =	wrdreg s3  }
0xb8: {  	[dreg:$0x3] =	wrdreg s5  }
0xb9: {  	[dreg:$0x4] =	wrdreg $0xC0  }
0xba: {  	_ =	task [dreg:s22], $0x5FFFF  }
0xbb: {  	[dreg:$0x1] =	wrdreg $0xFFFFFFFF  }
0xbc: {  	[dreg:$0x0] =	wrdreg $0x60  }
0xbd: {  	[dreg:$0x2] =	wrdreg s24  }
0xbe: {  	[dreg:$0x3] =	wrdreg $0x9  }
0xbf: {  	_ =	task.clear_ibuf [dreg:s22], $0x4FFFF;
	_ =	strace $0x9000004C  }
0xc0: {  	s29 =	simm.s32 $0x9;
	_ =	strace $0x8000004E  }
0xc1: {  	_ =	swait.ge [sflag:s29], $0x1  }
0xc2: {  	[sflag:s29] =	ssyncadd.s32 $0xFFFFFFFF  }
0xc3: {  	_ =	strace $0x9000004E  }
0xc4: {  	_ =	sfence  }
0xc5: {  	s30 =	sld [smem:$0x0];
	_ =	sdelay $0x2  }
0xc6: {  	s31 =	sshll.u32 s1, $0xD;
	s1 =	sshrl.u32 s1, $0x2  }
0xc7: {  	s4 =	sand.u32 $0x4000, s31;
	s1 =	sadd.s32 s1, s30  }
0xc8: {  	s0 =	sor.u32 s4, s0;
	s1 =	sshll.u32 s1, $0x11  }
0xc9: {  	s0 =	sor.u32 s1, s0  }
0xca: {  	s0 =	sadd.s32 $0x8F2B, s0  }
0xcb: {  	[sflag:s0] =	ssyncadd.remote.s32 $0x1  }
0xcc: {  	_ =	sfence.sel $0xFFFF  }
0xcd: {  	[dreg:$0x0] =	wrdreg $0xFFFFFFFF;
	(pc) =	sbr.abs _section_cstart, $3  }
0xce: {  	[dreg:$0x1] =	wrdreg $0xFFFFFFFF  }
0xcf: {  	_ =	task.clear_ibuf [dreg:s22], $0x2FFFF;
	_ =	strace $0x9FFFFFFF  }
0xd0: {  	(tm) =	ssettm $0x7FFFFFFF  }
0xd1: {  	_ =	shalt  }
tec
execute0_lowered:
.L_overlay_start_1:
0x0: {  	(tag) =	ssettag $0x1  }
0x1: {  	s0 =	srdreg.scid  }
0x2: {  	s1 =	sshll.u32 s0, $0x4  }
0x3: {  	s0 =	stileid.u32;
	s1 =	sand.u32 $0x10, s1  }
0x4: {  	s2 =	sor.u32 s0, s1  }
0x5: {  	s3 =	smin.u32 s2, $0x10  }
0x6: {  	s1 =	sshll.u32 s1, $0x4;
	s2 =	sshll.u32 s2, $0x9;
	s3 =	sshll.u32 s3, $0x8  }
0x7: {  	s9 =	rddreg [dreg:$0x0];
	s1 =	sxor.u32 $0x300, s1;
	s2 =	sadd.s32 s2, s3  }
0x8: {  	s6 =	simm.s32 $0x1;
	s7 =	simm.s32 $0x2;
	s1 =	sadd.s32 s1, s2  }
0x9: {  	s10 =	simm.s32 $0x3;
	s13 =	simm.s32 $0x0;
	s3 =	smin.u32 s1, $0x5000  }
0xa: {  	s12 =	simm.s32 $0x0;
	s4 =	sadd.s32 $0x44C00, s9;
	s8 =	ssub.s32 s3, s2  }
.Ltmp0:
0xb: {  	s5 =	sadd.s32 $0x43800, s9;
	p0 =	sgt.s32 s8, $0x0;
	(pc) =	sbr.rel .LBB2_1-.Ltmp0, $4  }
0xc: {  	s1 =	rddreg [dreg:$0x1];
	_ =	strace $0x8000004D;
	s8 =	simm.s32 @!p0 $0x0  }
0xd: {  	s9 =	sadd.s32 $0xF87000, s9;
	[sflag:s6] =	ssyncpa.u1 $0x0;
	s8 =	sadd.s32 $0xFF, s8  }
0xe: {  	s11 =	smov.u32 s2;
	[sflag:s7] =	ssyncpa.u1 $0x0;
	s8 =	sshrl.u32 s8, $0x8  }
0xf: {  	vm0 =	vmmov $0xff;
	vm1 =	vcmask $0x3F20;
	[sflag:s10] =	ssyncpa.u1 $0x0;
	p0 =	por $0x0, $0x0;
	s10 =	sadd.s32 $0x1, s8  }
.LBB2_6:
0x10: {  	[hbm:s17] =	stream.linear.scatter [tilespmem:s14], [sflag:$0x3], $0x400, $0x38;
	[tilespmem:$0x10200] =	vst v63  }
.LBB2_7:
0x11: {  	s13 =	sadd.s32 $0x100, s11  }
0x12: {  	s15 =	smov.u32 s2;
	p2 =	slt.s32 s13, s3  }
0x13: {  	s15 =	smov.u32 @p2 s13;
	p2 =	sne.s32 s12, s10  }
.Ltmp1:
0x14: {  	p1 =	slt.u32 s12, $0x2;
	(pc) =	sbr.rel @!p2 .LBB2_8-.Ltmp1, $4  }
0x15: {  	s14 =	simm.s32 @!p1 $0x3  }
0x16: {  	s16 =	sadd.s32 $0x1, s12;
	_ =	swait.ge @!p1 [sflag:s14], $0x8000  }
0x17: {  	p0 =	por !p0, !p0;
	s13 =	smov.u32 s11;
	[sflag:s14] =	ssyncset.done @!p1 $0x0  }
0x18: {  	s12 =	smov.u32 s16;
	s11 =	smov.u32 s15;
	[sflag:s14] =	ssyncadd.s32 @!p1 $0xFFFF8000  }
.LBB2_1:
0x19: {  	p1 =	sge.u32 s12, s8  }
0x1a: {  	s14 =	sxor.u32 @!p1 $0xFFFFFFFF, s12  }
0x1b: {  	s31 =	sadd.s32 $0xFFFFFFFF, s12;
	s15 =	sshrl.u32 @!p1 s11, $0x3;
	s14 =	sshll.u32 @!p1 s14, $0x8  }
0x1c: {  	s16 =	sand.u32 @!p1 $0x7, s11;
	s15 =	sadd.s32 @!p1 s5, s15;
	s14 =	sand.u32 @!p1 $0x100, s14  }
0x1d: {  	[tilespmem:s14], [sflag:$0x2] =	stream.linear.gather @!p1 [hbm4b:s15+s16], $0x100, $0x38;
	[tilespmem:$0x10200] =	vst v63  }
0x1e: {  	p1 =	sge.u32 s31, s8  }
.Ltmp2:
0x1f: {  	_ = 	snop;
	(pc) =	sbr.rel @p1 .LBB2_7-.Ltmp2, $1  }
0x20: {  	_ =	sdelay $0x3  }
0x21: {  	s14 =	simm.s32 $0x1  }
0x22: {  	_ =	swait.ge [sflag:s7], $0x100;
	s14 =	simm.s32 @!p0 $0x0  }
0x23: {  	[sflag:s7] =	ssyncset.done $0x0;
	s16 =	sshll.u32 s14, $0x8  }
0x24: {  	[sflag:s7] =	ssyncadd.s32 $0xFFFFFF00;
	s15 =	sadd.s32 $0x0, s16  }
0x25: {  	v0 =	vld.msk [tilespmem:s15+$0x0 ss:$0x1], $0xffff;
	_ =	sdelay $0x4  }
0x26: {  	vm2 =	vgt.s32 v0, $0x0  }
0x27: {  	v0 =	vnsel vm2, $0x0, v0  }
0x28: {  	v0 =	vmin.u32 v0, $0xF423F  }
0x29: {  	v0 =	vshll.u32 v0, $0x4;
	_ =	sdelay $0x2  }
0x2a: {  	s14 =	sshll.u32 s14, $0xF  }
0x2b: {  	s14 =	sor.u32 $0x200, s14  }
0x2c: {  	[tilespmem:s14], [sflag:$0x1] =	stream.indirect_vreg.gather [hbm:s4], $0x80, v0, vm0, $0x38;
	[tilespmem:$0x10200] =	vst v63  }
0x2d: {  	s17 =	sadd.s32 $0x10, s16;
	s15 =	sadd.s32 $0x400, s14  }
0x2e: {  	[tilespmem:s15], [sflag:$0x1] =	stream.indirect_vreg.gather [hbm:s4], $0x80, v0, vm1, $0x38;
	[tilespmem:$0x10200] =	vst v63  }
0x2f: {  	s18 =	simm.s32 $0x80;
	v0 =	vld.msk [tilespmem:s17+$0x0 ss:$0x1], $0xffff;
	s17 =	smov.u32 s14  }
.LBB2_3:
0x30: {  	p1 =	sne.s32 s18, $0x3C0;
	_ =	sdelay $0x4  }
0x31: {  	vm2 =	vgt.s32 v0, $0x0  }
0x32: {  	v0 =	vnsel vm2, $0x0, v0  }
0x33: {  	v0 =	vmin.u32 v0, $0xF423F  }
0x34: {  	v0 =	vshll.u32 v0, $0x4;
	_ =	sdelay $0x3  }
.Ltmp3:
0x35: {  	s19 =	sshra.s32 s18, $0x2;
	s17 =	sadd.s32 $0x800, s17;
	(pc) =	sbr.rel @p1 .LBB2_3-.Ltmp3, $4  }
0x36: {  	[tilespmem:s17], [sflag:$0x1] =	stream.indirect_vreg.gather [hbm:s4], $0x80, v0, vm0, $0x38;
	[tilespmem:$0x10200] =	vst v63  }
0x37: {  	s19 =	sadd.s32 s19, s16;
	s20 =	sadd.s32 $0x400, s17  }
0x38: {  	[tilespmem:s20], [sflag:$0x1] =	stream.indirect_vreg.gather [hbm:s4], $0x80, v0, vm1, $0x38;
	[tilespmem:$0x10200] =	vst v63  }
0x39: {  	s18 =	sadd.s32 $0x40, s18;
	v0 =	vld.msk [tilespmem:s19+$0x0 ss:$0x1], $0xffff  }
0x3a: {  	_ =	sdelay $0x3  }
0x3b: {  	vm2 =	vgt.s32 v0, $0x0  }
0x3c: {  	v0 =	vnsel vm2, $0x0, v0  }
0x3d: {  	v0 =	vmin.u32 v0, $0xF423F  }
0x3e: {  	v0 =	vshll.u32 v0, $0x4;
	_ =	sdelay $0x3  }
0x3f: {  	s16 =	sadd.s32 $0x800, s17  }
0x40: {  	[tilespmem:s16], [sflag:$0x1] =	stream.indirect_vreg.gather [hbm:s4], $0x80, v0, vm0, $0x38;
	[tilespmem:$0x10200] =	vst v63  }
0x41: {  	s16 =	sadd.s32 $0x400, s16  }
0x42: {  	[tilespmem:s16], [sflag:$0x1] =	stream.indirect_vreg.gather [hbm:s4], $0x80, v0, vm1, $0x38;
	[tilespmem:$0x10200] =	vst v63  }
0x43: {  	s13 =	sshll.u32 s13, $0x4;
	_ =	swait.ge [sflag:s6], $0x8000  }
0x44: {  	s13 =	sadd.s32 s13, s9;
	[sflag:s6] =	ssyncset.done $0x0  }
0x45: {  	s17 =	sadd.s32 $0x0, s13;
	s16 =	simm.s32 $0x80;
	[sflag:s6] =	ssyncadd.s32 $0xFFFF8000  }
.LBB2_5:
0x46: {  	[hbm:s17] =	stream.linear.scatter [tilespmem:s14], [sflag:$0x3], $0x400, $0x38;
	[tilespmem:$0x10200] =	vst v63  }
0x47: {  	s17 =	smov.u32 s16;
	s14 =	smov.u32 s15;
	p1 =	sne.s32 s16, $0xF80  }
.Ltmp4:
0x48: {  	s16 =	sadd.s32 $0x80, s16;
	(pc) =	sbr.rel @p1 .LBB2_5-.Ltmp4, $2  }
0x49: {  	_ =	sdelay $0x2  }
0x4a: {  	s15 =	sadd.s32 $0x400, s15;
	s17 =	sadd.s32 s17, s13  }
.Ltmp5:
0x4b: {  	_ = 	snop;
	(pc) =	sbr.rel .LBB2_6-.Ltmp5, $1  }
0x4c: {  	_ =	sdelay $0x3  }
.LBB2_8:
0x4d: {  	_ =	sfence.sel $0x180000  }
0x4e: {  	s2 =	simm.s32 $0x2;
	[bflag:$0x0] =	sbarrier.arrive $0xFFFF  }
0x4f: {  	s30 =	simm.s32 $0x3;
	[sflag:s2] =	ssyncpa.u1 $0x1  }
0x50: {  	s31 =	simm.s32 $0x1;
	[sflag:s30] =	ssyncpa.u1 $0x1  }
0x51: {  	[sflag:s31] =	ssyncpa.u1 $0x1  }
0x52: {  	p0 =	sne.s32 s0, $0x0;
	_ =	strace $0x9000004D  }
0x53: {  	s0 =	sadd.s32 @!p0 $0x100000, s1;
	[bflag:$0x2] =	sbarrier.arrive $0xFFFF  }
0x54: {  	[sflag:s0] =	ssyncadd.tile.s32 @!p0 $0x1;
	_ =	shalt  }
.Lfunc_end2:
_tile_overlayer_lowered:
.L_overlay_start_2:
0x55: {  	(tag) =	ssettag $0x2  }
0x56: {  	s0 =	rddreg [dreg:$0x0];
	s2 =	stileid.u32  }
0x57: {  	s1 =	rddreg [dreg:$0x1];
	p0 =	sne.s32 s2, $0x0  }
0x58: {  	s3 =	rddreg [dreg:$0x2];
	[bflag:$0x3] =	sbarrier.arrive $0xFFFF;
	s2 =	simm.s32 @!p0 $0x1C01  }
0x59: {  	[timem:s3], [sflag:s2] =	dma.local @!p0 [hbm:s0], s1  }
0x5a: {  	s0 =	simm.s32 @!p0 $0x1  }
0x5b: {  	_ =	swait.ge @!p0 [sflag:s0], s1  }
0x5c: {  	s1 =	ssub.s32 @!p0 $0x0, s1;
	[sflag:s0] =	ssyncset.done @!p0 $0x0  }
0x5d: {  	[sflag:s0] =	ssyncadd.s32 @!p0 s1  }
0x5e: {  	[bflag:$0x3] =	sbarrier.arrive $0xFFFF  }
0x5f: {  	_ =	shalt  }

// kernel: kernel.5.cloned.1.call-start
scs
__scs_entry_jumppad:
0x0: {  	(pc) =	sbr.rel $0x88, $3  }
0x1: {  	(tag) =	ssettag $0x0;
	lr =	simm.s32 $0x1  }
0x2: {  	[smem:$0x3F9D] =	sst lr;
	_ =	strace $0xD0000000  }
0x3: {  	_ = 	snop  }
0x4: {  	_ = 	snop  }
0x5: {  	_ = 	snop  }
0x6: {  	_ = 	snop  }
0x7: {  	_ = 	snop  }
__scs_overlays_trampoline_lowered:
0x8: {  	[smem:$0x3FAC] =	sst s0  }
0x9: {  	[smem:$0x3FAD] =	sst s1  }
0xa: {  	[smem:$0x3FAE] =	sst s2  }
0xb: {  	[smem:$0x3FAF] =	sst s3  }
0xc: {  	[smem:$0x3FB0] =	sst s4  }
0xd: {  	[smem:$0x3FB1] =	sst s5  }
0xe: {  	[smem:$0x3FB2] =	sst s6  }
0xf: {  	[smem:$0x3FB3] =	sst s7  }
0x10: {  	[smem:$0x3FB4] =	sst s8  }
0x11: {  	[smem:$0x3FB5] =	sst s9;
	s0 =	simm.s32 @!p0 $0x0  }
0x12: {  	s1 =	sld [smem:$0x3F9B];
	s0 =	simm.s32 @p0 $0x1  }
0x13: {  	[smem:$0x3FB6] =	sst s0;
	s0 =	simm.s32 @!p1 $0x0  }
0x14: {  	s2 =	sld [smem:$0x3F9A];
	s0 =	simm.s32 @p1 $0x1  }
0x15: {  	[smem:$0x3FB7] =	sst s0;
	s0 =	simm.s32 @!p2 $0x0  }
0x16: {  	s3 =	sld [smem:$0x3FDB];
	s0 =	simm.s32 @p2 $0x1  }
0x17: {  	s4 =	simm.s32 $0x1BF5;
	[smem:$0x3FB9] =	sst s0  }
0x18: {  	s0 =	sld [smem:$0x3F9C];
	_ =	swait.ge [sflag:s4], $0x0  }
0x19: {  	s7 =	sld [smem:$0x3F9D]  }
0x1a: {  	s8 =	sadd.s32 $0xFFFFE003, lr  }
0x1b: {  	s9 =	sadd.s32 $0xFFFFFEF7, lr;
	s5 =	simm.s32 $0xFFFFFFFF;
	p2 =	slt.u32 s8, $0xFFFFF086  }
0x1c: {  	p1 =	slt.u32 s9, $0xF7A;
	s5 =	simm.s32 @!p2 $0x0  }
0x1d: {  	s5 =	simm.s32 @p1 $0x1;
	p0 =	seq.s32 s7, s2  }
0x1e: {  	s7 =	smul.u32 @!p0 $0xF7A, s2;
	p2 =	seq.s32 @!p0 s5, $0x0  }
0x1f: {  	s9 =	smul.u32 $0xF7A, s1;
	s8 =	simm.s32 @!p0 $0x1BF5;
	p2 =	por !p2, p0  }
0x20: {  	[sflag:s8] =	ssyncset.s32 @!p0 $0xFFFFF086;
	s6 =	sadd.s32 @!p0 s3, s7;
	s7 =	simm.s32 @!p0 $0x108  }
0x21: {  	s3 =	sadd.s32 s3, s9;
	s6 =	sadd.s32 @!p0 $0x88, s6;
	s7 =	simm.s32 @p2 $0x1082  }
0x22: {  	[simem:s7], [sflag:s8] =	dma.local @!p0 [hbm:s6], $0xF7A  }
0x23: {  	s9 =	sor.u32 $0xD0000000, s2;
	s6 =	simm.s32 $0x108;
	_ =	swait.ge @!p0 [sflag:s8], $0x0  }
0x24: {  	s3 =	sadd.s32 $0x88, s3;
	s6 =	simm.s32 @!p1 $0x1082;
	[sflag:s4] =	ssyncset.s32 $0xFFFFF086  }
0x25: {  	[simem:s6], [sflag:s4] =	dma.local [hbm:s3], $0xF7A  }
0x26: {  	[smem:$0x3F9D] =	sst s1;
	(tag) =	ssettag s2;
	_ =	strace s9  }
0x27: {  	s1 =	sld [smem:$0x3FAD]  }
0x28: {  	s2 =	sld [smem:$0x3FAE]  }
0x29: {  	s4 =	sld [smem:$0x3FB0]  }
0x2a: {  	p0 =	seq.s32 s5, $0x0;
	s5 =	sld [smem:$0x3FB1]  }
0x2b: {  	s6 =	sld [smem:$0x3FB2]  }
0x2c: {  	s7 =	sld [smem:$0x3FB3]  }
0x2d: {  	s3 =	simm.s32 $0x108;
	s8 =	sld [smem:$0x3FB4]  }
0x2e: {  	s3 =	simm.s32 @!p0 $0x1082;
	s9 =	sld [smem:$0x3FB5]  }
0x2f: {  	lr =	sadd.s32 s0, s3;
	s0 =	sld [smem:$0x3FAC]  }
0x30: {  	s3 =	sld [smem:$0x3FAF]  }
0x31: {  	[smem:$0x3FB8] =	sst s10  }
0x32: {  	s10 =	sld [smem:$0x3FB6];
	_ =	sdelay $0x3  }
0x33: {  	p0 =	seq.s32 s10, $0x1;
	s10 =	sld [smem:$0x3FB8];
	_ =	sdelay $0x3  }
0x34: {  	[smem:$0x3FB8] =	sst s10  }
0x35: {  	s10 =	sld [smem:$0x3FB7];
	_ =	sdelay $0x3  }
0x36: {  	p1 =	seq.s32 s10, $0x1;
	s10 =	sld [smem:$0x3FB8];
	_ =	sdelay $0x3  }
0x37: {  	[smem:$0x3FB8] =	sst s10  }
0x38: {  	s10 =	sld [smem:$0x3FB9]  }
0x39: {  	_ = 	snop;
	(pc) =	sbr.ind lr, $3  }
0x3a: {  	_ = 	snop  }
0x3b: {  	_ = 	snop  }
0x3c: {  	p2 =	seq.s32 s10, $0x1;
	s10 =	sld [smem:$0x3FB8]  }
0x3d: {  	_ =	shalt  }
0x3e: {  	_ =	shalt  }
0x3f: {  	_ =	shalt  }
0x40: {  	_ =	shalt  }
0x41: {  	_ =	shalt  }
0x42: {  	_ =	shalt  }
0x43: {  	_ =	shalt  }
0x44: {  	_ =	shalt  }
0x45: {  	_ =	shalt  }
0x46: {  	_ =	shalt  }
0x47: {  	_ =	shalt  }
0x48: {  	_ =	shalt  }
0x49: {  	_ =	shalt  }
0x4a: {  	_ =	shalt  }
0x4b: {  	_ =	shalt  }
0x4c: {  	_ =	shalt  }
0x4d: {  	_ =	shalt  }
0x4e: {  	_ =	shalt  }
0x4f: {  	_ =	shalt  }
0x50: {  	_ =	shalt  }
0x51: {  	_ =	shalt  }
0x52: {  	_ =	shalt  }
0x53: {  	_ =	shalt  }
0x54: {  	_ =	shalt  }
0x55: {  	_ =	shalt  }
0x56: {  	_ =	shalt  }
0x57: {  	_ =	shalt  }
0x58: {  	_ =	shalt  }
0x59: {  	_ =	shalt  }
0x5a: {  	_ =	shalt  }
0x5b: {  	_ =	shalt  }
0x5c: {  	_ =	shalt  }
0x5d: {  	_ =	shalt  }
0x5e: {  	_ =	shalt  }
0x5f: {  	_ =	shalt  }
0x60: {  	_ =	shalt  }
0x61: {  	_ =	shalt  }
0x62: {  	_ =	shalt  }
0x63: {  	_ =	shalt  }
0x64: {  	_ =	shalt  }
0x65: {  	_ =	shalt  }
0x66: {  	_ =	shalt  }
0x67: {  	_ =	shalt  }
0x68: {  	_ =	shalt  }
0x69: {  	_ =	shalt  }
0x6a: {  	_ =	shalt  }
0x6b: {  	_ =	shalt  }
0x6c: {  	_ =	shalt  }
0x6d: {  	_ =	shalt  }
0x6e: {  	_ =	shalt  }
0x6f: {  	_ =	shalt  }
0x70: {  	_ =	shalt  }
0x71: {  	_ =	shalt  }
0x72: {  	_ =	shalt  }
0x73: {  	_ =	shalt  }
0x74: {  	_ =	shalt  }
0x75: {  	_ =	shalt  }
0x76: {  	_ =	shalt  }
0x77: {  	_ =	shalt  }
0x78: {  	_ =	shalt  }
0x79: {  	_ =	shalt  }
0x7a: {  	_ =	shalt  }
0x7b: {  	_ =	shalt  }
0x7c: {  	_ =	shalt  }
0x7d: {  	_ =	shalt  }
0x7e: {  	_ =	shalt  }
0x7f: {  	_ =	shalt  }
0x80: {  	_ =	shalt  }
0x81: {  	_ =	shalt  }
0x82: {  	_ =	shalt  }
0x83: {  	_ =	shalt  }
0x84: {  	_ =	shalt  }
0x85: {  	_ =	shalt  }
0x86: {  	_ =	shalt  }
0x87: {  	_ =	shalt  }
.Lfunc_end0:
.L_simem_size_0:
called_computation.4_lowered:
.L_overlay_start_0:
0x88: {  	s2 =	sld [smem:$0x3FD9]  }
0x89: {  	s3 =	sld [smem:$0x3FFE];
	_ =	sdelay $0x1  }
0x8a: {  	s1 =	srdreg.scid  }
0x8b: {  	s0 =	sand.u32 $0x1, s1  }
0x8c: {  	s16 =	sshll.u32 s0, $0xA;
	s2 =	sadd.s32 s3, s2  }
0x8d: {  	s2 =	sadd.s32 s2, s16  }
0x8e: {  	[smem:$0x3FC4] =	sst s2  }
0x8f: {  	_ = 	snop  }
0x90: {  	(tm) =	ssettm $0x1  }
0x91: {  	s17 =	sld [smem:$0x3FFB];
	_ =	sdelay $0x3  }
0x92: {  	_ =	strace s17  }
0x93: {  	s2 =	sld [smem:$0x3FFC];
	_ =	sdelay $0x3  }
0x94: {  	_ =	strace s2  }
0x95: {  	s2 =	sld [smem:$0x3FFD];
	_ =	sdelay $0x3  }
0x96: {  	_ =	strace s2  }
0x97: {  	_ =	strace $0x8FFFFFFF  }
0x98: {  	s18 =	sld [smem:$0x3FDB];
	_ =	sdelay $0x1  }
0x99: {  	s19 =	simm.s32 $_scs_section_size  }
0x9a: {  	s4 =	simm.s32 $_size__tile_overlayer_lowered;
	s5 =	simm.s32 $_tile_overlayer_lowered  }
0x9b: {  	s22 =	simm.s32 $0x1BFF;
	s21 =	sshll.u32 s5, $0x1;
	s2 =	sadd.s32 s19, s18  }
0x9c: {  	s6 =	simm.s32 $0x0;
	s20 =	sshll.u32 s4, $0x1;
	s4 =	sadd.s32 s21, s2  }
0x9d: {  	[timem:s6], [sflag:s22] =	dma.local [hbm:s4], s20  }
0x9e: {  	_ =	swait.ge [sflag:s22], s20  }
0x9f: {  	s3 =	ssub.s32 $0x0, s20;
	[sflag:s22] =	ssyncset.done $0x0  }
0xa0: {  	[sflag:s22] =	ssyncadd.s32 s3;
	_ =	sdelay $0x1  }
0xa1: {  	s23 =	simm.s32 $0x1B8B  }
0xa2: {  	_ =	swait.ge [sflag:s23], $0x1  }
0xa3: {  	[sflag:s23] =	ssyncset.done $0x0  }
0xa4: {  	s25 =	simm.s32 $0x1B8E;
	s24 =	sld [smem:$0x3FFE];
	[sflag:s23] =	ssyncadd.s32 $0xFFFFFFFF  }
0xa5: {  	s26 =	simm.s32 $execute0_lowered;
	[smem:$0x3FD2] =	sst s25  }
0xa6: {  	s4 =	sshll.u32 s26, $0x1;
	_ =	strace $0x80000046;
	[dreg:$0x1] =	wrdreg $0xFFFFFFFF  }
0xa7: {  	s28 =	simm.s32 $_size_execute0_lowered;
	s2 =	sadd.s32 s2, s4;
	[dreg:$0x0] =	wrdreg $0x0  }
0xa8: {  	s4 =	sshll.u32 s28, $0x1;
	[dreg:$0x2] =	wrdreg s2  }
0xa9: {  	[dreg:$0x3] =	wrdreg s4  }
0xaa: {  	[dreg:$0x4] =	wrdreg $0xC0  }
0xab: {  	_ =	task [dreg:s6], $0x5FFFF  }
0xac: {  	[dreg:$0x1] =	wrdreg $0xFFFFFFFF  }
0xad: {  	[dreg:$0x0] =	wrdreg $0x60  }
0xae: {  	[dreg:$0x2] =	wrdreg s24  }
0xaf: {  	[dreg:$0x3] =	wrdreg $0xB  }
0xb0: {  	_ =	task.clear_ibuf [dreg:s6], $0x4FFFF;
	_ =	strace $0x90000046  }
0xb1: {  	s29 =	simm.s32 $0xB;
	_ =	strace $0x80000048  }
0xb2: {  	_ =	swait.ge [sflag:s29], $0x1  }
0xb3: {  	[sflag:s29] =	ssyncadd.s32 $0xFFFFFFFF  }
0xb4: {  	_ =	strace $0x90000048  }
0xb5: {  	_ =	sfence  }
0xb6: {  	s30 =	sld [smem:$0x0];
	_ =	sdelay $0x2  }
0xb7: {  	s31 =	sshll.u32 s1, $0xD;
	s1 =	sshrl.u32 s1, $0x2  }
0xb8: {  	s3 =	sand.u32 $0x4000, s31;
	s1 =	sadd.s32 s1, s30  }
0xb9: {  	s0 =	sor.u32 s3, s0;
	s1 =	sshll.u32 s1, $0x11  }
0xba: {  	s0 =	sor.u32 s1, s0  }
0xbb: {  	s0 =	sadd.s32 $0x8F2B, s0  }
0xbc: {  	[sflag:s0] =	ssyncadd.remote.s32 $0x1  }
0xbd: {  	_ =	sfence.sel $0xFFFF  }
0xbe: {  	[dreg:$0x0] =	wrdreg $0xFFFFFFFF;
	(pc) =	sbr.abs _section_cstart, $3  }
0xbf: {  	[dreg:$0x1] =	wrdreg $0xFFFFFFFF  }
0xc0: {  	_ =	task.clear_ibuf [dreg:s6], $0x2FFFF;
	_ =	strace $0x9FFFFFFF  }
0xc1: {  	(tm) =	ssettm $0x7FFFFFFF  }
tec
execute0_lowered:
.L_overlay_start_1:
0x0: {  	(tag) =	ssettag $0x1  }
0x1: {  	s3 =	rddreg [dreg:$0x0]  }
0x2: {  	s0 =	rddreg [dreg:$0x1];
	s4 =	srdreg.scid  }
0x3: {  	s2 =	simm.s32 $0x0;
	s1 =	stileid.u32;
	s7 =	simm.s32 $0x2  }
0x4: {  	s8 =	simm.s32 $0x8000;
	s9 =	simm.s32 $0x80;
	s10 =	simm.s32 $0x1  }
0x5: {  	s11 =	simm.s32 $0x0;
	s4 =	sand.u32 $0x1, s4;
	[smem:$0x7FF] =	sst s2  }
0x6: {  	s5 =	sshll.u32 s1, $0xD;
	s6 =	sshll.u32 s4, $0xC;
	s4 =	ssub.s32 $0x2, s4  }
0x7: {  	_ =	strace $0x80000047;
	s5 =	sor.u32 s6, s5;
	s31 =	sshrl.u32 s4, $0x1  }
0x8: {  	s5 =	sadd.s32 s5, s3;
	s3 =	sadd.s32 $0x42C00, s3;
	s6 =	ssub.s32 s4, s31  }
0x9: {  	s4 =	sadd.s32 $0x22C00, s5;
	s5 =	sadd.s32 $0x2C00, s5;
	s6 =	smax.u32 s6, $0x1  }
.LBB2_1:
0xa: {  	[tilespmem:s2], [sflag:$0x2] =	stream.linear.gather [hbm4b:s4+s2], $0x8000, $0x38;
	[tilespmem:$0x10000] =	vst v63  }
0xb: {  	_ =	swait.ge [sflag:s7], $0x8000  }
0xc: {  	[sflag:s7] =	ssyncset.done $0x0  }
0xd: {  	[sflag:s7] =	ssyncadd.s32 $0xFFFF8000  }
0xe: {  	[tilespmem:s8], [sflag:$0x2] =	stream.linear.gather [hbm4b:s5+s2], $0x8000, $0x38;
	[tilespmem:$0x10000] =	vst v63  }
0xf: {  	_ =	swait.ge [sflag:s7], $0x8000  }
0x10: {  	[sflag:s7] =	ssyncset.done $0x0  }
0x11: {  	[sflag:s7] =	ssyncadd.s32 $0xFFFF8000;
	(ifvalue) =	ssetifvalue $0x800  }
0x12: {  	s12 =	simm.s32 $0x0;
	s13 =	simm.s32 $0x8000;
	(ifvalue) =	ssetifvalue $0x800  }
0x13: {  	[hbm4b:s3+s9] =	stream.indirect.scatter [tilespmem:s13], [sflag:$0x1], $0x1, s12, s9, $0x40b8;
	[tilespmem:$0x10000] =	vst v63  }
0x14: {  	(ifvalue) =	ssetifvalue $0x800  }
0x15: {  	s19 =	simm.s32 $0x8080;
	s20 =	simm.s32 $0x80;
	(ifvalue) =	ssetifvalue $0x800  }
0x16: {  	[hbm4b:s3+s9] =	stream.indirect.scatter [tilespmem:s19], [sflag:$0x1], $0x1, s20, s9, $0x40b8;
	[tilespmem:$0x10000] =	vst v63  }
0x17: {  	(ifvalue) =	ssetifvalue $0x800  }
0x18: {  	s21 =	simm.s32 $0x8100;
	s22 =	simm.s32 $0x100;
	(ifvalue) =	ssetifvalue $0x800  }
0x19: {  	[hbm4b:s3+s9] =	stream.indirect.scatter [tilespmem:s21], [sflag:$0x1], $0x1, s22, s9, $0x40b8;
	[tilespmem:$0x10000] =	vst v63  }
0x1a: {  	(ifvalue) =	ssetifvalue $0x800  }
0x1b: {  	s23 =	simm.s32 $0x8180;
	s24 =	simm.s32 $0x180;
	(ifvalue) =	ssetifvalue $0x800  }
0x1c: {  	[hbm4b:s3+s9] =	stream.indirect.scatter [tilespmem:s23], [sflag:$0x1], $0x1, s24, s9, $0x40b8;
	[tilespmem:$0x10000] =	vst v63  }
0x1d: {  	(ifvalue) =	ssetifvalue $0x800  }
0x1e: {  	s25 =	simm.s32 $0x8200;
	s26 =	simm.s32 $0x200;
	(ifvalue) =	ssetifvalue $0x800  }
0x1f: {  	[hbm4b:s3+s9] =	stream.indirect.scatter [tilespmem:s25], [sflag:$0x1], $0x1, s26, s9, $0x40b8;
	[tilespmem:$0x10000] =	vst v63  }
0x20: {  	(ifvalue) =	ssetifvalue $0x800  }
0x21: {  	s28 =	simm.s32 $0x8280;
	s29 =	simm.s32 $0x280;
	(ifvalue) =	ssetifvalue $0x800  }
0x22: {  	[hbm4b:s3+s9] =	stream.indirect.scatter [tilespmem:s28], [sflag:$0x1], $0x1, s29, s9, $0x40b8;
	[tilespmem:$0x10000] =	vst v63  }
0x23: {  	(ifvalue) =	ssetifvalue $0x800  }
0x24: {  	s30 =	simm.s32 $0x8300;
	s31 =	simm.s32 $0x300;
	(ifvalue) =	ssetifvalue $0x800  }
0x25: {  	[hbm4b:s3+s9] =	stream.indirect.scatter [tilespmem:s30], [sflag:$0x1], $0x1, s31, s9, $0x40b8;
	[tilespmem:$0x10000] =	vst v63  }
0x26: {  	(ifvalue) =	ssetifvalue $0x800  }
0x27: {  	s14 =	simm.s32 $0x380;
	s13 =	simm.s32 $0x8380;
	(ifvalue) =	ssetifvalue $0x800  }
0x28: {  	[hbm4b:s3+s9] =	stream.indirect.scatter [tilespmem:s13], [sflag:$0x1], $0x1, s14, s9, $0x40b8;
	[tilespmem:$0x10000] =	vst v63  }
0x29: {  	(ifvalue) =	ssetifvalue $0x800  }
0x2a: {  	s15 =	simm.s32 $0x8400;
	s16 =	simm.s32 $0x400;
	(ifvalue) =	ssetifvalue $0x800  }
0x2b: {  	[hbm4b:s3+s9] =	stream.indirect.scatter [tilespmem:s15], [sflag:$0x1], $0x1, s16, s9, $0x40b8;
	[tilespmem:$0x10000] =	vst v63  }
0x2c: {  	(ifvalue) =	ssetifvalue $0x800  }
0x2d: {  	s17 =	simm.s32 $0x8480;
	s18 =	simm.s32 $0x480;
	(ifvalue) =	ssetifvalue $0x800  }
0x2e: {  	[hbm4b:s3+s9] =	stream.indirect.scatter [tilespmem:s17], [sflag:$0x1], $0x1, s18, s9, $0x40b8;
	[tilespmem:$0x10000] =	vst v63  }
0x2f: {  	(ifvalue) =	ssetifvalue $0x800  }
0x30: {  	s19 =	simm.s32 $0x8500;
	s20 =	simm.s32 $0x500;
	(ifvalue) =	ssetifvalue $0x800  }
0x31: {  	[hbm4b:s3+s9] =	stream.indirect.scatter [tilespmem:s19], [sflag:$0x1], $0x1, s20, s9, $0x40b8;
	[tilespmem:$0x10000] =	vst v63  }
0x32: {  	(ifvalue) =	ssetifvalue $0x800  }
0x33: {  	s21 =	simm.s32 $0x8580;
	s22 =	simm.s32 $0x580;
	(ifvalue) =	ssetifvalue $0x800  }
0x34: {  	[hbm4b:s3+s9] =	stream.indirect.scatter [tilespmem:s21], [sflag:$0x1], $0x1, s22, s9, $0x40b8;
	[tilespmem:$0x10000] =	vst v63  }
0x35: {  	(ifvalue) =	ssetifvalue $0x800  }
0x36: {  	s23 =	simm.s32 $0x8600;
	s24 =	simm.s32 $0x600;
	(ifvalue) =	ssetifvalue $0x800  }
0x37: {  	[hbm4b:s3+s9] =	stream.indirect.scatter [tilespmem:s23], [sflag:$0x1], $0x1, s24, s9, $0x40b8;
	[tilespmem:$0x10000] =	vst v63  }
0x38: {  	(ifvalue) =	ssetifvalue $0x800  }
0x39: {  	s25 =	simm.s32 $0x8680;
	s26 =	simm.s32 $0x680;
	(ifvalue) =	ssetifvalue $0x800  }
0x3a: {  	[hbm4b:s3+s9] =	stream.indirect.scatter [tilespmem:s25], [sflag:$0x1], $0x1, s26, s9, $0x40b8;
	[tilespmem:$0x10000] =	vst v63  }
0x3b: {  	(ifvalue) =	ssetifvalue $0x800  }
0x3c: {  	s28 =	simm.s32 $0x8700;
	s29 =	simm.s32 $0x700;
	(ifvalue) =	ssetifvalue $0x800  }
0x3d: {  	[hbm4b:s3+s9] =	stream.indirect.scatter [tilespmem:s28], [sflag:$0x1], $0x1, s29, s9, $0x40b8;
	[tilespmem:$0x10000] =	vst v63  }
0x3e: {  	(ifvalue) =	ssetifvalue $0x800  }
0x3f: {  	s30 =	simm.s32 $0x8780;
	s31 =	simm.s32 $0x780;
	(ifvalue) =	ssetifvalue $0x800  }
0x40: {  	[hbm4b:s3+s9] =	stream.indirect.scatter [tilespmem:s30], [sflag:$0x1], $0x1, s31, s9, $0x40b8;
	[tilespmem:$0x10000] =	vst v63  }
0x41: {  	_ =	swait.ge [sflag:s10], $0x80  }
0x42: {  	[sflag:s10] =	ssyncset.done $0x0  }
0x43: {  	[sflag:s10] =	ssyncadd.s32 $0xFFFFFF80  }
0x44: {  	_ =	swait.ge [sflag:s10], $0x80  }
0x45: {  	[sflag:s10] =	ssyncset.done $0x0  }
0x46: {  	[sflag:s10] =	ssyncadd.s32 $0xFFFFFF80  }
0x47: {  	_ =	swait.ge [sflag:s10], $0x80  }
0x48: {  	[sflag:s10] =	ssyncset.done $0x0  }
0x49: {  	[sflag:s10] =	ssyncadd.s32 $0xFFFFFF80  }
0x4a: {  	_ =	swait.ge [sflag:s10], $0x80  }
0x4b: {  	[sflag:s10] =	ssyncset.done $0x0  }
0x4c: {  	[sflag:s10] =	ssyncadd.s32 $0xFFFFFF80  }
0x4d: {  	_ =	swait.ge [sflag:s10], $0x80  }
0x4e: {  	[sflag:s10] =	ssyncset.done $0x0  }
0x4f: {  	[sflag:s10] =	ssyncadd.s32 $0xFFFFFF80  }
0x50: {  	_ =	swait.ge [sflag:s10], $0x80  }
0x51: {  	[sflag:s10] =	ssyncset.done $0x0  }
0x52: {  	[sflag:s10] =	ssyncadd.s32 $0xFFFFFF80  }
0x53: {  	_ =	swait.ge [sflag:s10], $0x80  }
0x54: {  	[sflag:s10] =	ssyncset.done $0x0  }
0x55: {  	[sflag:s10] =	ssyncadd.s32 $0xFFFFFF80  }
0x56: {  	_ =	swait.ge [sflag:s10], $0x80  }
0x57: {  	[sflag:s10] =	ssyncset.done $0x0  }
0x58: {  	[sflag:s10] =	ssyncadd.s32 $0xFFFFFF80  }
0x59: {  	_ =	swait.ge [sflag:s10], $0x80  }
0x5a: {  	[sflag:s10] =	ssyncset.done $0x0  }
0x5b: {  	[sflag:s10] =	ssyncadd.s32 $0xFFFFFF80  }
0x5c: {  	_ =	swait.ge [sflag:s10], $0x80  }
0x5d: {  	[sflag:s10] =	ssyncset.done $0x0  }
0x5e: {  	[sflag:s10] =	ssyncadd.s32 $0xFFFFFF80  }
0x5f: {  	_ =	swait.ge [sflag:s10], $0x80  }
0x60: {  	[sflag:s10] =	ssyncset.done $0x0  }
0x61: {  	[sflag:s10] =	ssyncadd.s32 $0xFFFFFF80  }
0x62: {  	_ =	swait.ge [sflag:s10], $0x80  }
0x63: {  	[sflag:s10] =	ssyncset.done $0x0  }
0x64: {  	[sflag:s10] =	ssyncadd.s32 $0xFFFFFF80  }
0x65: {  	_ =	swait.ge [sflag:s10], $0x80  }
0x66: {  	[sflag:s10] =	ssyncset.done $0x0  }
0x67: {  	[sflag:s10] =	ssyncadd.s32 $0xFFFFFF80  }
0x68: {  	_ =	swait.ge [sflag:s10], $0x80  }
0x69: {  	[sflag:s10] =	ssyncset.done $0x0  }
0x6a: {  	[sflag:s10] =	ssyncadd.s32 $0xFFFFFF80  }
0x6b: {  	_ =	swait.ge [sflag:s10], $0x80  }
0x6c: {  	[sflag:s10] =	ssyncset.done $0x0  }
0x6d: {  	[sflag:s10] =	ssyncadd.s32 $0xFFFFFF80  }
0x6e: {  	s12 =	simm.s32 $0x4000;
	_ =	swait.ge [sflag:s10], $0x80  }
0x6f: {  	s14 =	simm.s32 $0x800;
	(ifvalue) =	ssetifvalue $0x800;
	[sflag:s10] =	ssyncset.done $0x0  }
.LBB2_2:
0x70: {  	s15 =	sadd.s32 $0x8000, s14  }
0x71: {  	(ifvalue) =	ssetifvalue $0x800;
	[sflag:s10] =	ssyncadd.s32 $0xFFFFFF80;
	s13 =	smov.u32 s12  }
0x72: {  	[hbm4b:s3+s9] =	stream.indirect.scatter [tilespmem:s15], [sflag:$0x1], $0x1, s14, s9, $0x40b8;
	[tilespmem:$0x10000] =	vst v63  }
0x73: {  	p0 =	sne.s32 s12, $0x1E000;
	s12 =	sadd.s32 $0x2000, s12;
	(ifvalue) =	ssetifvalue $0x800  }
0x74: {  	s16 =	sadd.s32 $0x80, s14;
	s15 =	sadd.s32 $0x8080, s14;
	(ifvalue) =	ssetifvalue $0x800  }
0x75: {  	[hbm4b:s3+s9] =	stream.indirect.scatter [tilespmem:s15], [sflag:$0x1], $0x1, s16, s9, $0x40b8;
	[tilespmem:$0x10000] =	vst v63  }
0x76: {  	(ifvalue) =	ssetifvalue $0x800  }
0x77: {  	s15 =	sadd.s32 $0x8100, s14;
	s16 =	sadd.s32 $0x100, s14;
	(ifvalue) =	ssetifvalue $0x800  }
0x78: {  	[hbm4b:s3+s9] =	stream.indirect.scatter [tilespmem:s15], [sflag:$0x1], $0x1, s16, s9, $0x40b8;
	[tilespmem:$0x10000] =	vst v63  }
0x79: {  	(ifvalue) =	ssetifvalue $0x800  }
0x7a: {  	s15 =	sadd.s32 $0x8180, s14;
	s16 =	sadd.s32 $0x180, s14;
	(ifvalue) =	ssetifvalue $0x800  }
0x7b: {  	[hbm4b:s3+s9] =	stream.indirect.scatter [tilespmem:s15], [sflag:$0x1], $0x1, s16, s9, $0x40b8;
	[tilespmem:$0x10000] =	vst v63  }
0x7c: {  	(ifvalue) =	ssetifvalue $0x800  }
0x7d: {  	s15 =	sadd.s32 $0x8200, s14;
	s16 =	sadd.s32 $0x200, s14;
	(ifvalue) =	ssetifvalue $0x800  }
0x7e: {  	[hbm4b:s3+s9] =	stream.indirect.scatter [tilespmem:s15], [sflag:$0x1], $0x1, s16, s9, $0x40b8;
	[tilespmem:$0x10000] =	vst v63  }
0x7f: {  	(ifvalue) =	ssetifvalue $0x800  }
0x80: {  	s15 =	sadd.s32 $0x8280, s14;
	s16 =	sadd.s32 $0x280, s14;
	(ifvalue) =	ssetifvalue $0x800  }
0x81: {  	[hbm4b:s3+s9] =	stream.indirect.scatter [tilespmem:s15], [sflag:$0x1], $0x1, s16, s9, $0x40b8;
	[tilespmem:$0x10000] =	vst v63  }
0x82: {  	(ifvalue) =	ssetifvalue $0x800  }
0x83: {  	s15 =	sadd.s32 $0x8300, s14;
	s16 =	sadd.s32 $0x300, s14;
	(ifvalue) =	ssetifvalue $0x800  }
0x84: {  	[hbm4b:s3+s9] =	stream.indirect.scatter [tilespmem:s15], [sflag:$0x1], $0x1, s16, s9, $0x40b8;
	[tilespmem:$0x10000] =	vst v63  }
0x85: {  	(ifvalue) =	ssetifvalue $0x800  }
0x86: {  	s15 =	sadd.s32 $0x8380, s14;
	s16 =	sadd.s32 $0x380, s14;
	(ifvalue) =	ssetifvalue $0x800  }
0x87: {  	[hbm4b:s3+s9] =	stream.indirect.scatter [tilespmem:s15], [sflag:$0x1], $0x1, s16, s9, $0x40b8;
	[tilespmem:$0x10000] =	vst v63  }
0x88: {  	(ifvalue) =	ssetifvalue $0x800  }
0x89: {  	s15 =	sadd.s32 $0x8400, s14;
	s16 =	sadd.s32 $0x400, s14;
	(ifvalue) =	ssetifvalue $0x800  }
0x8a: {  	[hbm4b:s3+s9] =	stream.indirect.scatter [tilespmem:s15], [sflag:$0x1], $0x1, s16, s9, $0x40b8;
	[tilespmem:$0x10000] =	vst v63  }
0x8b: {  	(ifvalue) =	ssetifvalue $0x800  }
0x8c: {  	s15 =	sadd.s32 $0x8480, s14;
	s16 =	sadd.s32 $0x480, s14;
	(ifvalue) =	ssetifvalue $0x800  }
0x8d: {  	[hbm4b:s3+s9] =	stream.indirect.scatter [tilespmem:s15], [sflag:$0x1], $0x1, s16, s9, $0x40b8;
	[tilespmem:$0x10000] =	vst v63  }
0x8e: {  	(ifvalue) =	ssetifvalue $0x800  }
0x8f: {  	s15 =	sadd.s32 $0x8500, s14;
	s16 =	sadd.s32 $0x500, s14;
	(ifvalue) =	ssetifvalue $0x800  }
0x90: {  	[hbm4b:s3+s9] =	stream.indirect.scatter [tilespmem:s15], [sflag:$0x1], $0x1, s16, s9, $0x40b8;
	[tilespmem:$0x10000] =	vst v63  }
0x91: {  	(ifvalue) =	ssetifvalue $0x800  }
0x92: {  	s15 =	sadd.s32 $0x8580, s14;
	s16 =	sadd.s32 $0x580, s14;
	(ifvalue) =	ssetifvalue $0x800  }
0x93: {  	[hbm4b:s3+s9] =	stream.indirect.scatter [tilespmem:s15], [sflag:$0x1], $0x1, s16, s9, $0x40b8;
	[tilespmem:$0x10000] =	vst v63  }
0x94: {  	(ifvalue) =	ssetifvalue $0x800  }
0x95: {  	s15 =	sadd.s32 $0x8600, s14;
	s16 =	sadd.s32 $0x600, s14;
	(ifvalue) =	ssetifvalue $0x800  }
0x96: {  	[hbm4b:s3+s9] =	stream.indirect.scatter [tilespmem:s15], [sflag:$0x1], $0x1, s16, s9, $0x40b8;
	[tilespmem:$0x10000] =	vst v63  }
0x97: {  	(ifvalue) =	ssetifvalue $0x800  }
0x98: {  	s15 =	sadd.s32 $0x8680, s14;
	s16 =	sadd.s32 $0x680, s14;
	(ifvalue) =	ssetifvalue $0x800  }
0x99: {  	[hbm4b:s3+s9] =	stream.indirect.scatter [tilespmem:s15], [sflag:$0x1], $0x1, s16, s9, $0x40b8;
	[tilespmem:$0x10000] =	vst v63  }
0x9a: {  	(ifvalue) =	ssetifvalue $0x800  }
0x9b: {  	s15 =	sadd.s32 $0x8700, s14;
	s16 =	sadd.s32 $0x700, s14;
	(ifvalue) =	ssetifvalue $0x800  }
0x9c: {  	[hbm4b:s3+s9] =	stream.indirect.scatter [tilespmem:s15], [sflag:$0x1], $0x1, s16, s9, $0x40b8;
	[tilespmem:$0x10000] =	vst v63  }
0x9d: {  	(ifvalue) =	ssetifvalue $0x800  }
0x9e: {  	s15 =	sadd.s32 $0x8780, s14;
	s14 =	sadd.s32 $0x780, s14;
	(ifvalue) =	ssetifvalue $0x800  }
0x9f: {  	[hbm4b:s3+s9] =	stream.indirect.scatter [tilespmem:s15], [sflag:$0x1], $0x1, s14, s9, $0x40b8;
	[tilespmem:$0x10000] =	vst v63  }
0xa0: {  	_ =	swait.ge [sflag:s10], $0x80  }
0xa1: {  	[sflag:s10] =	ssyncset.done $0x0  }
0xa2: {  	[sflag:s10] =	ssyncadd.s32 $0xFFFFFF80  }
0xa3: {  	_ =	swait.ge [sflag:s10], $0x80  }
0xa4: {  	[sflag:s10] =	ssyncset.done $0x0  }
0xa5: {  	[sflag:s10] =	ssyncadd.s32 $0xFFFFFF80  }
0xa6: {  	_ =	swait.ge [sflag:s10], $0x80  }
0xa7: {  	[sflag:s10] =	ssyncset.done $0x0  }
0xa8: {  	[sflag:s10] =	ssyncadd.s32 $0xFFFFFF80  }
0xa9: {  	_ =	swait.ge [sflag:s10], $0x80  }
0xaa: {  	[sflag:s10] =	ssyncset.done $0x0  }
0xab: {  	[sflag:s10] =	ssyncadd.s32 $0xFFFFFF80  }
0xac: {  	_ =	swait.ge [sflag:s10], $0x80  }
0xad: {  	[sflag:s10] =	ssyncset.done $0x0  }
0xae: {  	[sflag:s10] =	ssyncadd.s32 $0xFFFFFF80  }
0xaf: {  	_ =	swait.ge [sflag:s10], $0x80  }
0xb0: {  	[sflag:s10] =	ssyncset.done $0x0  }
0xb1: {  	[sflag:s10] =	ssyncadd.s32 $0xFFFFFF80  }
0xb2: {  	_ =	swait.ge [sflag:s10], $0x80  }
0xb3: {  	[sflag:s10] =	ssyncset.done $0x0  }
0xb4: {  	[sflag:s10] =	ssyncadd.s32 $0xFFFFFF80  }
0xb5: {  	_ =	swait.ge [sflag:s10], $0x80  }
0xb6: {  	[sflag:s10] =	ssyncset.done $0x0  }
0xb7: {  	[sflag:s10] =	ssyncadd.s32 $0xFFFFFF80  }
0xb8: {  	_ =	swait.ge [sflag:s10], $0x80  }
0xb9: {  	[sflag:s10] =	ssyncset.done $0x0  }
0xba: {  	[sflag:s10] =	ssyncadd.s32 $0xFFFFFF80  }
0xbb: {  	_ =	swait.ge [sflag:s10], $0x80  }
0xbc: {  	[sflag:s10] =	ssyncset.done $0x0  }
0xbd: {  	[sflag:s10] =	ssyncadd.s32 $0xFFFFFF80  }
0xbe: {  	_ =	swait.ge [sflag:s10], $0x80  }
0xbf: {  	[sflag:s10] =	ssyncset.done $0x0  }
0xc0: {  	[sflag:s10] =	ssyncadd.s32 $0xFFFFFF80  }
0xc1: {  	_ =	swait.ge [sflag:s10], $0x80  }
0xc2: {  	[sflag:s10] =	ssyncset.done $0x0  }
0xc3: {  	[sflag:s10] =	ssyncadd.s32 $0xFFFFFF80  }
0xc4: {  	_ =	swait.ge [sflag:s10], $0x80  }
0xc5: {  	[sflag:s10] =	ssyncset.done $0x0  }
0xc6: {  	[sflag:s10] =	ssyncadd.s32 $0xFFFFFF80  }
0xc7: {  	_ =	swait.ge [sflag:s10], $0x80  }
0xc8: {  	[sflag:s10] =	ssyncset.done $0x0  }
0xc9: {  	[sflag:s10] =	ssyncadd.s32 $0xFFFFFF80  }
.Ltmp0:
0xca: {  	_ =	swait.ge [sflag:s10], $0x80;
	(pc) =	sbr.rel @p0 .LBB2_2-.Ltmp0, $4  }
0xcb: {  	[sflag:s10] =	ssyncset.done $0x0  }
0xcc: {  	[sflag:s10] =	ssyncadd.s32 $0xFFFFFF80  }
0xcd: {  	_ =	swait.ge [sflag:s10], $0x80  }
0xce: {  	s14 =	sshra.s32 s13, $0x2;
	(ifvalue) =	ssetifvalue $0x800;
	[sflag:s10] =	ssyncset.done $0x0  }
0xcf: {  	(ifvalue) =	ssetifvalue $0x800;
	s12 =	sadd.s32 $0x8000, s14;
	[sflag:s10] =	ssyncadd.s32 $0xFFFFFF80  }
0xd0: {  	[hbm4b:s3+s9] =	stream.indirect.scatter [tilespmem:s12], [sflag:$0x1], $0x1, s14, s9, $0x40b8;
	[tilespmem:$0x10000] =	vst v63  }
0xd1: {  	(ifvalue) =	ssetifvalue $0x800  }
0xd2: {  	s18 =	sadd.s32 $0x8080, s14;
	s13 =	sadd.s32 $0x80, s14;
	(ifvalue) =	ssetifvalue $0x800  }
0xd3: {  	[hbm4b:s3+s9] =	stream.indirect.scatter [tilespmem:s18], [sflag:$0x1], $0x1, s13, s9, $0x40b8;
	[tilespmem:$0x10000] =	vst v63  }
0xd4: {  	(ifvalue) =	ssetifvalue $0x800  }
0xd5: {  	s19 =	sadd.s32 $0x8100, s14;
	s20 =	sadd.s32 $0x100, s14;
	(ifvalue) =	ssetifvalue $0x800  }
0xd6: {  	[hbm4b:s3+s9] =	stream.indirect.scatter [tilespmem:s19], [sflag:$0x1], $0x1, s20, s9, $0x40b8;
	[tilespmem:$0x10000] =	vst v63  }
0xd7: {  	(ifvalue) =	ssetifvalue $0x800  }
0xd8: {  	s21 =	sadd.s32 $0x8180, s14;
	s22 =	sadd.s32 $0x180, s14;
	(ifvalue) =	ssetifvalue $0x800  }
0xd9: {  	[hbm4b:s3+s9] =	stream.indirect.scatter [tilespmem:s21], [sflag:$0x1], $0x1, s22, s9, $0x40b8;
	[tilespmem:$0x10000] =	vst v63  }
0xda: {  	(ifvalue) =	ssetifvalue $0x800  }
0xdb: {  	s23 =	sadd.s32 $0x8200, s14;
	s24 =	sadd.s32 $0x200, s14;
	(ifvalue) =	ssetifvalue $0x800  }
0xdc: {  	[hbm4b:s3+s9] =	stream.indirect.scatter [tilespmem:s23], [sflag:$0x1], $0x1, s24, s9, $0x40b8;
	[tilespmem:$0x10000] =	vst v63  }
0xdd: {  	(ifvalue) =	ssetifvalue $0x800  }
0xde: {  	s25 =	sadd.s32 $0x8280, s14;
	s26 =	sadd.s32 $0x280, s14;
	(ifvalue) =	ssetifvalue $0x800  }
0xdf: {  	[hbm4b:s3+s9] =	stream.indirect.scatter [tilespmem:s25], [sflag:$0x1], $0x1, s26, s9, $0x40b8;
	[tilespmem:$0x10000] =	vst v63  }
0xe0: {  	(ifvalue) =	ssetifvalue $0x800  }
0xe1: {  	s28 =	sadd.s32 $0x8300, s14;
	s29 =	sadd.s32 $0x300, s14;
	(ifvalue) =	ssetifvalue $0x800  }
0xe2: {  	[hbm4b:s3+s9] =	stream.indirect.scatter [tilespmem:s28], [sflag:$0x1], $0x1, s29, s9, $0x40b8;
	[tilespmem:$0x10000] =	vst v63  }
0xe3: {  	(ifvalue) =	ssetifvalue $0x800  }
0xe4: {  	s30 =	sadd.s32 $0x8380, s14;
	s31 =	sadd.s32 $0x380, s14;
	(ifvalue) =	ssetifvalue $0x800  }
0xe5: {  	[hbm4b:s3+s9] =	stream.indirect.scatter [tilespmem:s30], [sflag:$0x1], $0x1, s31, s9, $0x40b8;
	[tilespmem:$0x10000] =	vst v63  }
0xe6: {  	(ifvalue) =	ssetifvalue $0x800  }
0xe7: {  	s15 =	sadd.s32 $0x8400, s14;
	s16 =	sadd.s32 $0x400, s14;
	(ifvalue) =	ssetifvalue $0x800  }
0xe8: {  	[hbm4b:s3+s9] =	stream.indirect.scatter [tilespmem:s15], [sflag:$0x1], $0x1, s16, s9, $0x40b8;
	[tilespmem:$0x10000] =	vst v63  }
0xe9: {  	(ifvalue) =	ssetifvalue $0x800  }
0xea: {  	s17 =	sadd.s32 $0x8480, s14;
	s18 =	sadd.s32 $0x480, s14;
	(ifvalue) =	ssetifvalue $0x800  }
0xeb: {  	[hbm4b:s3+s9] =	stream.indirect.scatter [tilespmem:s17], [sflag:$0x1], $0x1, s18, s9, $0x40b8;
	[tilespmem:$0x10000] =	vst v63  }
0xec: {  	(ifvalue) =	ssetifvalue $0x800  }
0xed: {  	s19 =	sadd.s32 $0x8500, s14;
	s20 =	sadd.s32 $0x500, s14;
	(ifvalue) =	ssetifvalue $0x800  }
0xee: {  	[hbm4b:s3+s9] =	stream.indirect.scatter [tilespmem:s19], [sflag:$0x1], $0x1, s20, s9, $0x40b8;
	[tilespmem:$0x10000] =	vst v63  }
0xef: {  	(ifvalue) =	ssetifvalue $0x800  }
0xf0: {  	s21 =	sadd.s32 $0x8580, s14;
	s22 =	sadd.s32 $0x580, s14;
	(ifvalue) =	ssetifvalue $0x800  }
0xf1: {  	[hbm4b:s3+s9] =	stream.indirect.scatter [tilespmem:s21], [sflag:$0x1], $0x1, s22, s9, $0x40b8;
	[tilespmem:$0x10000] =	vst v63  }
0xf2: {  	(ifvalue) =	ssetifvalue $0x800  }
0xf3: {  	s23 =	sadd.s32 $0x8600, s14;
	s24 =	sadd.s32 $0x600, s14;
	(ifvalue) =	ssetifvalue $0x800  }
0xf4: {  	[hbm4b:s3+s9] =	stream.indirect.scatter [tilespmem:s23], [sflag:$0x1], $0x1, s24, s9, $0x40b8;
	[tilespmem:$0x10000] =	vst v63  }
0xf5: {  	(ifvalue) =	ssetifvalue $0x800  }
0xf6: {  	s25 =	sadd.s32 $0x8680, s14;
	s26 =	sadd.s32 $0x680, s14;
	(ifvalue) =	ssetifvalue $0x800  }
0xf7: {  	[hbm4b:s3+s9] =	stream.indirect.scatter [tilespmem:s25], [sflag:$0x1], $0x1, s26, s9, $0x40b8;
	[tilespmem:$0x10000] =	vst v63  }
0xf8: {  	(ifvalue) =	ssetifvalue $0x800  }
0xf9: {  	s28 =	sadd.s32 $0x8700, s14;
	s29 =	sadd.s32 $0x700, s14;
	(ifvalue) =	ssetifvalue $0x800  }
0xfa: {  	[hbm4b:s3+s9] =	stream.indirect.scatter [tilespmem:s28], [sflag:$0x1], $0x1, s29, s9, $0x40b8;
	[tilespmem:$0x10000] =	vst v63  }
0xfb: {  	(ifvalue) =	ssetifvalue $0x800  }
0xfc: {  	s30 =	sadd.s32 $0x8780, s14;
	s31 =	sadd.s32 $0x780, s14;
	(ifvalue) =	ssetifvalue $0x800  }
0xfd: {  	[hbm4b:s3+s9] =	stream.indirect.scatter [tilespmem:s30], [sflag:$0x1], $0x1, s31, s9, $0x40b8;
	[tilespmem:$0x10000] =	vst v63  }
0xfe: {  	_ =	swait.ge [sflag:s10], $0x80  }
0xff: {  	[sflag:s10] =	ssyncset.done $0x0  }
0x100: {  	[sflag:s10] =	ssyncadd.s32 $0xFFFFFF80  }
0x101: {  	_ =	swait.ge [sflag:s10], $0x80  }
0x102: {  	[sflag:s10] =	ssyncset.done $0x0  }
0x103: {  	[sflag:s10] =	ssyncadd.s32 $0xFFFFFF80  }
0x104: {  	_ =	swait.ge [sflag:s10], $0x80  }
0x105: {  	[sflag:s10] =	ssyncset.done $0x0  }
0x106: {  	[sflag:s10] =	ssyncadd.s32 $0xFFFFFF80  }
0x107: {  	_ =	swait.ge [sflag:s10], $0x80  }
0x108: {  	[sflag:s10] =	ssyncset.done $0x0  }
0x109: {  	[sflag:s10] =	ssyncadd.s32 $0xFFFFFF80  }
0x10a: {  	_ =	swait.ge [sflag:s10], $0x80  }
0x10b: {  	[sflag:s10] =	ssyncset.done $0x0  }
0x10c: {  	[sflag:s10] =	ssyncadd.s32 $0xFFFFFF80  }
0x10d: {  	_ =	swait.ge [sflag:s10], $0x80  }
0x10e: {  	[sflag:s10] =	ssyncset.done $0x0  }
0x10f: {  	[sflag:s10] =	ssyncadd.s32 $0xFFFFFF80  }
0x110: {  	_ =	swait.ge [sflag:s10], $0x80  }
0x111: {  	[sflag:s10] =	ssyncset.done $0x0  }
0x112: {  	[sflag:s10] =	ssyncadd.s32 $0xFFFFFF80  }
0x113: {  	_ =	swait.ge [sflag:s10], $0x80  }
0x114: {  	[sflag:s10] =	ssyncset.done $0x0  }
0x115: {  	[sflag:s10] =	ssyncadd.s32 $0xFFFFFF80  }
0x116: {  	_ =	swait.ge [sflag:s10], $0x80  }
0x117: {  	[sflag:s10] =	ssyncset.done $0x0  }
0x118: {  	[sflag:s10] =	ssyncadd.s32 $0xFFFFFF80  }
0x119: {  	_ =	swait.ge [sflag:s10], $0x80  }
0x11a: {  	[sflag:s10] =	ssyncset.done $0x0  }
0x11b: {  	[sflag:s10] =	ssyncadd.s32 $0xFFFFFF80  }
0x11c: {  	_ =	swait.ge [sflag:s10], $0x80  }
0x11d: {  	[sflag:s10] =	ssyncset.done $0x0  }
0x11e: {  	[sflag:s10] =	ssyncadd.s32 $0xFFFFFF80  }
0x11f: {  	_ =	swait.ge [sflag:s10], $0x80  }
0x120: {  	[sflag:s10] =	ssyncset.done $0x0  }
0x121: {  	[sflag:s10] =	ssyncadd.s32 $0xFFFFFF80  }
0x122: {  	_ =	swait.ge [sflag:s10], $0x80  }
0x123: {  	[sflag:s10] =	ssyncset.done $0x0  }
0x124: {  	[sflag:s10] =	ssyncadd.s32 $0xFFFFFF80  }
0x125: {  	_ =	swait.ge [sflag:s10], $0x80  }
0x126: {  	[sflag:s10] =	ssyncset.done $0x0  }
0x127: {  	s11 =	sadd.s32 $0x1, s11;
	[sflag:s10] =	ssyncadd.s32 $0xFFFFFF80  }
0x128: {  	p0 =	sne.s32 s11, s6;
	_ =	swait.ge [sflag:s10], $0x80  }
.Ltmp1:
0x129: {  	[sflag:s10] =	ssyncset.done $0x0;
	(pc) =	sbr.rel @p0 .LBB2_1-.Ltmp1, $4  }
0x12a: {  	[sflag:s10] =	ssyncadd.s32 $0xFFFFFF80  }
0x12b: {  	_ =	swait.ge [sflag:s10], $0x80  }
0x12c: {  	[sflag:s10] =	ssyncset.done $0x0  }
0x12d: {  	[sflag:s10] =	ssyncadd.s32 $0xFFFFFF80  }
0x12e: {  	_ =	sfence.sel $0x180000  }
0x12f: {  	[bflag:$0x0] =	sbarrier.arrive $0xFFFF  }
0x130: {  	p0 =	sne.s32 s1, $0x0;
	_ =	strace $0x90000047  }
0x131: {  	s0 =	sadd.s32 @!p0 $0x100000, s0;
	[bflag:$0x2] =	sbarrier.arrive $0xFFFF  }
0x132: {  	[sflag:s0] =	ssyncadd.tile.s32 @!p0 $0x1;
	_ =	shalt  }
.Lfunc_end2:
_tile_overlayer_lowered:
.L_overlay_start_2:
0x133: {  	(tag) =	ssettag $0x2  }
0x134: {  	s0 =	rddreg [dreg:$0x0];
	s2 =	stileid.u32  }
0x135: {  	s1 =	rddreg [dreg:$0x1];
	p0 =	sne.s32 s2, $0x0  }
0x136: {  	s3 =	rddreg [dreg:$0x2];
	[bflag:$0x3] =	sbarrier.arrive $0xFFFF;
	s2 =	simm.s32 @!p0 $0x1C02  }
0x137: {  	[timem:s3], [sflag:s2] =	dma.local @!p0 [hbm:s0], s1  }
0x138: {  	s0 =	simm.s32 @!p0 $0x2  }
0x139: {  	_ =	swait.ge @!p0 [sflag:s0], s1  }
0x13a: {  	s1 =	ssub.s32 @!p0 $0x0, s1;
	[sflag:s0] =	ssyncset.done @!p0 $0x0  }
0x13b: {  	[sflag:s0] =	ssyncadd.s32 @!p0 s1  }
0x13c: {  	[bflag:$0x3] =	sbarrier.arrive $0xFFFF  }
0x13d: {  	_ =	shalt  }

</sc_bundles>
